<compile_context>
chip_gen: v7x
topology: tpu7x:2x2x1
jax: 0.10.2.dev20260603
libtpu: 0.0.44.dev20260713+nightly
codegen_flags: <defaults>
</compile_context>

<pallas_src>
import functools

import jax
import jax.numpy as jnp
from jax import lax
from jax.experimental import pallas as pl
from jax.experimental.pallas import tpu as pltpu
from jax.experimental.pallas import tpu_sc as plsc

N = 10000
E = 320000
IN_FEA = 128
HIDDEN = 128
RANK = 64

NC = 2
NS = 16
NW = NC * NS

B = 128
K = 80
EPAD = NW * K * B
NPAD = 10240
ROWS_PER_TILE = NPAD // NS
NPH = 2
K2 = K // NPH

W2 = 2 * RANK


def _prep_body(x_ref, w_ref, p_ref):
    feat = jnp.dot(x_ref[...], w_ref[...], preferred_element_type=jnp.float32)
    logp = jnp.log(jnp.maximum(jnp.abs(feat), 1e-30))
    gp = jnp.where(feat < 0, 3.0, 2.0)
    p_ref[...] = jnp.concatenate([logp, gp], axis=1)


def _finish_body(pp_ref, v_ref, o_ref):
    a = pp_ref[0] + pp_ref[1]
    s = a[:, :RANK]
    g = a[:, RANK:]
    sign = 1.0 - 2.0 * jnp.mod(g, 2.0)
    neigh = jnp.where(g > 0.0, sign * jnp.exp(s), 0.0)
    o_ref[...] = lax.dot_general(neigh, v_ref[...],
                                 (((1,), (1,)), ((), ())),
                                 preferred_element_type=jnp.float32)


def _sc_scatter_body(p_hbm, src_hbm, dst_hbm, out_hbm,
                     src_v, dst_v, gbuf, gbuf1, acc, sem, sem1):
    c = lax.axis_index("c")
    s = lax.axis_index("s")
    wid = s * NC + c
    gbufs = (gbuf, gbuf1)
    sems = (sem, sem1)

    zv = jnp.zeros((16,), jnp.float32)

    def zrow(i, carry):
        for l in range(W2 // 16):
            gbuf[i, pl.ds(l * 16, 16)] = zv
        return carry

    lax.fori_loop(0, B, zrow, 0)
    for r in range(ROWS_PER_TILE // B):
        pltpu.sync_copy(gbuf, acc.at[pl.ds(s * ROWS_PER_TILE + r * B, B)])

    plsc.subcore_barrier()

    for ph in range(NPH):
        pltpu.sync_copy(src_hbm.at[wid, pl.ds(ph * K2, K2)], src_v)
        pltpu.sync_copy(dst_hbm.at[wid, pl.ds(ph * K2, K2)], dst_v)
        pltpu.async_copy(p_hbm.at[src_v.at[0]], gbufs[0], sems[0])

        def body(t, carry):
            for b in range(2):
                j = t * 2 + b
                jn = lax.rem(j + 1, K2)
                pltpu.async_copy(p_hbm.at[src_v.at[jn]],
                                 gbufs[(b + 1) % 2], sems[(b + 1) % 2])
                pltpu.make_async_copy(p_hbm.at[src_v.at[0]], gbufs[b],
                                      sems[b]).wait()
                pltpu.sync_copy(gbufs[b], acc.at[dst_v.at[j]], add=True)
            return carry

        lax.fori_loop(0, K2 // 2, body, 0)
        pltpu.make_async_copy(p_hbm.at[src_v.at[0]], gbufs[0], sems[0]).wait()

    plsc.subcore_barrier()

    pltpu.sync_copy(acc.at[pl.ds(s * ROWS_PER_TILE, ROWS_PER_TILE)],
                    out_hbm.at[c, pl.ds(s * ROWS_PER_TILE, ROWS_PER_TILE)])


_sc_scatter = functools.partial(
    pl.kernel,
    out_type=jax.ShapeDtypeStruct((NC, NPAD, W2), jnp.float32),
    mesh=plsc.VectorSubcoreMesh(core_axis_name="c", subcore_axis_name="s"),
    scratch_types=[
        pltpu.VMEM((K2, B), jnp.int32),
        pltpu.VMEM((K2, B), jnp.int32),
        pltpu.VMEM((B, W2), jnp.float32),
        pltpu.VMEM((B, W2), jnp.float32),
        pltpu.VMEM_SHARED((NPAD, W2), jnp.float32),
        pltpu.SemaphoreType.DMA,
        pltpu.SemaphoreType.DMA,
    ],
)(_sc_scatter_body)


def kernel(x, edge_index, W, V):
    blk = 5000
    P = pl.pallas_call(
        _prep_body,
        grid=(N // blk,),
        in_specs=[
            pl.BlockSpec((blk, IN_FEA), lambda i: (i, 0)),
            pl.BlockSpec((IN_FEA, RANK), lambda i: (0, 0)),
        ],
        out_specs=pl.BlockSpec((blk, W2), lambda i: (i, 0)),
        out_shape=jax.ShapeDtypeStruct((N, W2), jnp.float32),
    )(x, W)

    pad = EPAD - E
    cyc = jnp.arange(pad, dtype=jnp.int32) % (NPAD - N)
    ei = jnp.concatenate(
        [edge_index, jnp.stack([cyc, N + cyc])], axis=1)
    src_r = ei[0].reshape(NW, K, B)
    dst_r = ei[1].reshape(NW, K, B)

    partials = _sc_scatter(P, src_r, dst_r)

    blk2 = 5000
    out = pl.pallas_call(
        _finish_body,
        grid=(N // blk2,),
        in_specs=[
            pl.BlockSpec((NC, blk2, W2), lambda i: (0, i, 0)),
            pl.BlockSpec((IN_FEA, RANK), lambda i: (0, 0)),
        ],
        out_specs=pl.BlockSpec((blk2, HIDDEN), lambda i: (i, 0)),
        out_shape=jax.ShapeDtypeStruct((N, HIDDEN), jnp.float32),
    )(partials, V)
    return out

# --- scband reference (transcript-rebuilt; emitter-appended) ---
"""Pipeline reference for scband-cplayer-2345052143747 (READ-ONLY COPY).

The authoritative reference and input builder live on the scoring server;
editing this copy changes nothing except your own understanding.
"""

import jax, jax.numpy as jnp
import numpy as np

N = 10000
E = 320000
IN_FEA = 128
HIDDEN = 128
RANK = 64

def _xavier(key, shape):
    a = float(np.sqrt(6.0 / (shape[0] + shape[1])))
    return jax.random.uniform(key, shape, dtype=jnp.float32, minval=-a, maxval=a)

def setup_inputs(seed: int = 0):
    key = jax.random.key(seed)
    k1, k2, k3, k4 = jax.random.split(key, 4)
    x = jax.random.normal(k1, (N, IN_FEA), dtype=jnp.float32)
    edge_index = jax.random.randint(k2, (2, E), 0, N, dtype=jnp.int32)
    W = _xavier(k3, (IN_FEA, RANK))
    V = _xavier(k4, (HIDDEN, RANK))
    return {"x": x, "edge_index": edge_index, "W": W, "V": V}

def _segment_prod(m, seg, num_segments):
    # differentiable segment-product via sign/log decomposition:
    # prod_j m_j = sign * exp(sum_j log|m_j|)
    log_abs = jnp.log(jnp.maximum(jnp.abs(m), 1e-30))
    s = jax.ops.segment_sum(log_abs, seg, num_segments=num_segments)
    neg = jax.ops.segment_sum(jnp.where(m < 0, 1.0, 0.0), seg, num_segments=num_segments)
    sign = 1.0 - 2.0 * jnp.mod(neg, 2.0)
    return sign * jnp.exp(s)

def reference(x, edge_index, W, V):
    src = edge_index[0]
    dst = edge_index[1]
    # non-tuple branch of CPlayer.forward: feat_src = feat_dst = x @ W (no activation)
    feat = x @ W  # [N, RANK]
    # copy_src('h','m'): gather per-edge messages
    msgs = jnp.take(feat, src, axis=0)  # [E, RANK]
    # reduce: elementwise product over incoming-edge mailbox per dst node
    neigh = _segment_prod(msgs, dst, N)  # [N, RANK]
    # DGL zero-fills dst nodes that receive no messages
    deg = jax.ops.segment_sum(jnp.ones((E,), jnp.float32), dst, num_segments=N)
    neigh = jnp.where(deg[:, None] > 0, neigh, 0.0)
    out = neigh @ V.T  # [N, HIDDEN]
    return out

if __name__ == "__main__":
    import jax
    _d = setup_inputs()
    print(jax.jit(kernel)(*tuple(_d.values())))

</pallas_src>

<mosaic_0001>
#map = affine_map<(d0, d1) -> (0, 0)>
#map1 = affine_map<(d0, d1) -> (0, 0, 0)>
module attributes {stable_mosaic.version = 14 : i64} {
  func.func @_sc_scatter_body(%arg0: i32, %arg1: i32, %arg2: memref<10000x128xf32, #tpu.memory_space<hbm>>, %arg3: memref<32x80x128xi32, #tpu.memory_space<hbm>>, %arg4: memref<32x80x128xi32, #tpu.memory_space<hbm>>, %arg5: memref<2x10240x128xf32, #tpu.memory_space<hbm>>, %arg6: memref<40x128xi32, #tpu.memory_space<vmem>>, %arg7: memref<40x128xi32, #tpu.memory_space<vmem>>, %arg8: memref<128x128xf32, #tpu.memory_space<vmem>>, %arg9: memref<128x128xf32, #tpu.memory_space<vmem>>, %arg10: memref<10240x128xf32, #tpu.memory_space<vmem_shared>>, %arg11: memref<!tpu.dma_semaphore, #tpu.memory_space<semaphore_mem>>, %arg12: memref<!tpu.dma_semaphore, #tpu.memory_space<semaphore_mem>>) attributes {dimension_semantics = [#tpu.dimension_semantics<core_parallel>, #tpu.dimension_semantics<subcore_parallel>], iteration_bounds = array<i64: 2, 16>, scalar_prefetch = 0 : i64, scratch_operands = 7 : i64, tpu.core_type = #tpu.core_type<sc_vector_subcore>, window_params = [{transform_indices = #map}, {transform_indices = #map1}, {transform_indices = #map1}, {transform_indices = #map1}]} {
    %mul3A = arith.constant 2 : i32
    %mul3A_0 = arith.muli %arg1, %mul3A : i32
    %add3A = arith.addi %mul3A_0, %arg0 : i32
    %broadcast_in_dim3A = arith.constant 0.000000e+00 : f32
    %broadcast_in_dim3A_1 = vector.broadcast %broadcast_in_dim3A : f32 to vector<16xf32>
    %scan3A = arith.constant 0 : i32
    %scan3A_2 = arith.constant 0 : i32
    %scan3A_3 = arith.constant 128 : i32
    %scan3A_4 = arith.addi %scan3A_2, %scan3A_3 : i32
    %scan3A_5 = arith.constant 1 : i32
    scf.for %scan3A_70 = %scan3A_2 to %scan3A_4 step %scan3A_5  : i32 {
      %swap3A = arith.index_cast %scan3A_70 : i32 to index
      %swap3A_71 = arith.constant 0 : index
      %swap3A_72 = tpu.vector_load %arg8[%swap3A, %swap3A_71] {strides = array<i32>} : memref<128x128xf32, #tpu.memory_space<vmem>>, vector<1x16xf32>,
      %swap3A_73 = vector.shape_cast %swap3A_72 : vector<1x16xf32> to vector<16xf32>
      %swap3A_74 = vector.shape_cast %broadcast_in_dim3A_1 : vector<16xf32> to vector<1x16xf32>
      tpu.vector_store %arg8[%swap3A, %swap3A_71], %swap3A_74 {strides = array<i32>} : memref<128x128xf32, #tpu.memory_space<vmem>>, vector<1x16xf32>,
      %swap3A_75 = arith.index_cast %scan3A_70 : i32 to index
      %swap3A_76 = arith.constant 16 : index
      %swap3A_77 = tpu.vector_load %arg8[%swap3A_75, %swap3A_76] {strides = array<i32>} : memref<128x128xf32, #tpu.memory_space<vmem>>, vector<1x16xf32>,
      %swap3A_78 = vector.shape_cast %swap3A_77 : vector<1x16xf32> to vector<16xf32>
      %swap3A_79 = vector.shape_cast %broadcast_in_dim3A_1 : vector<16xf32> to vector<1x16xf32>
      tpu.vector_store %arg8[%swap3A_75, %swap3A_76], %swap3A_79 {strides = array<i32>} : memref<128x128xf32, #tpu.memory_space<vmem>>, vector<1x16xf32>,
      %swap3A_80 = arith.index_cast %scan3A_70 : i32 to index
      %swap3A_81 = arith.constant 32 : index
      %swap3A_82 = tpu.vector_load %arg8[%swap3A_80, %swap3A_81] {strides = array<i32>} : memref<128x128xf32, #tpu.memory_space<vmem>>, vector<1x16xf32>,
      %swap3A_83 = vector.shape_cast %swap3A_82 : vector<1x16xf32> to vector<16xf32>
      %swap3A_84 = vector.shape_cast %broadcast_in_dim3A_1 : vector<16xf32> to vector<1x16xf32>
      tpu.vector_store %arg8[%swap3A_80, %swap3A_81], %swap3A_84 {strides = array<i32>} : memref<128x128xf32, #tpu.memory_space<vmem>>, vector<1x16xf32>,
      %swap3A_85 = arith.index_cast %scan3A_70 : i32 to index
      %swap3A_86 = arith.constant 48 : index
      %swap3A_87 = tpu.vector_load %arg8[%swap3A_85, %swap3A_86] {strides = array<i32>} : memref<128x128xf32, #tpu.memory_space<vmem>>, vector<1x16xf32>,
      %swap3A_88 = vector.shape_cast %swap3A_87 : vector<1x16xf32> to vector<16xf32>
      %swap3A_89 = vector.shape_cast %broadcast_in_dim3A_1 : vector<16xf32> to vector<1x16xf32>
      tpu.vector_store %arg8[%swap3A_85, %swap3A_86], %swap3A_89 {strides = array<i32>} : memref<128x128xf32, #tpu.memory_space<vmem>>, vector<1x16xf32>,
      %swap3A_90 = arith.index_cast %scan3A_70 : i32 to index
      %swap3A_91 = arith.constant 64 : index
      %swap3A_92 = tpu.vector_load %arg8[%swap3A_90, %swap3A_91] {strides = array<i32>} : memref<128x128xf32, #tpu.memory_space<vmem>>, vector<1x16xf32>,
      %swap3A_93 = vector.shape_cast %swap3A_92 : vector<1x16xf32> to vector<16xf32>
      %swap3A_94 = vector.shape_cast %broadcast_in_dim3A_1 : vector<16xf32> to vector<1x16xf32>
      tpu.vector_store %arg8[%swap3A_90, %swap3A_91], %swap3A_94 {strides = array<i32>} : memref<128x128xf32, #tpu.memory_space<vmem>>, vector<1x16xf32>,
      %swap3A_95 = arith.index_cast %scan3A_70 : i32 to index
      %swap3A_96 = arith.constant 80 : index
      %swap3A_97 = tpu.vector_load %arg8[%swap3A_95, %swap3A_96] {strides = array<i32>} : memref<128x128xf32, #tpu.memory_space<vmem>>, vector<1x16xf32>,
      %swap3A_98 = vector.shape_cast %swap3A_97 : vector<1x16xf32> to vector<16xf32>
      %swap3A_99 = vector.shape_cast %broadcast_in_dim3A_1 : vector<16xf32> to vector<1x16xf32>
      tpu.vector_store %arg8[%swap3A_95, %swap3A_96], %swap3A_99 {strides = array<i32>} : memref<128x128xf32, #tpu.memory_space<vmem>>, vector<1x16xf32>,
      %swap3A_100 = arith.index_cast %scan3A_70 : i32 to index
      %swap3A_101 = arith.constant 96 : index
      %swap3A_102 = tpu.vector_load %arg8[%swap3A_100, %swap3A_101] {strides = array<i32>} : memref<128x128xf32, #tpu.memory_space<vmem>>, vector<1x16xf32>,
      %swap3A_103 = vector.shape_cast %swap3A_102 : vector<1x16xf32> to vector<16xf32>
      %swap3A_104 = vector.shape_cast %broadcast_in_dim3A_1 : vector<16xf32> to vector<1x16xf32>
      tpu.vector_store %arg8[%swap3A_100, %swap3A_101], %swap3A_104 {strides = array<i32>} : memref<128x128xf32, #tpu.memory_space<vmem>>, vector<1x16xf32>,
      %swap3A_105 = arith.index_cast %scan3A_70 : i32 to index
      %swap3A_106 = arith.constant 112 : index
      %swap3A_107 = tpu.vector_load %arg8[%swap3A_105, %swap3A_106] {strides = array<i32>} : memref<128x128xf32, #tpu.memory_space<vmem>>, vector<1x16xf32>,
      %swap3A_108 = vector.shape_cast %swap3A_107 : vector<1x16xf32> to vector<16xf32>
      %swap3A_109 = vector.shape_cast %broadcast_in_dim3A_1 : vector<16xf32> to vector<1x16xf32>
      tpu.vector_store %arg8[%swap3A_105, %swap3A_106], %swap3A_109 {strides = array<i32>} : memref<128x128xf32, #tpu.memory_space<vmem>>, vector<1x16xf32>,
    }
    %scan3A_6 = arith.constant 128 : i32
    %mul3A_7 = arith.constant 640 : i32
    %mul3A_8 = arith.muli %arg1, %mul3A_7 : i32
    %add3A_9 = arith.constant 0 : i32
    %add3A_10 = arith.addi %mul3A_8, %add3A_9 : i32
    "tpu.region"() ({
      %run_scoped3A = tpu.sem_alloc : memref<!tpu.dma_semaphore, #tpu.memory_space<semaphore_mem>>
      %dma_start3A_70 = arith.constant 0 : i32
      %dma_start3A_71 = tpu.memref_slice %arg10[%add3A_10, %dma_start3A_70] : memref<10240x128xf32, #tpu.memory_space<vmem_shared>> -> memref<128x128xf32, #tpu.memory_space<vmem_shared>>
      %dma_start3A_72 = arith.constant 0 : i32
      %dma_start3A_73 = tpu.memref_slice %arg10[%add3A_10, %dma_start3A_72] : memref<10240x128xf32, #tpu.memory_space<vmem_shared>> -> memref<128x128xf32, #tpu.memory_space<vmem_shared>>
      tpu.enqueue_dma source(%arg8 : memref<128x128xf32, #tpu.memory_space<vmem>>) target(%dma_start3A_73 : memref<128x128xf32, #tpu.memory_space<vmem_shared>>) target_semaphore(%run_scoped3A : memref<!tpu.dma_semaphore, #tpu.memory_space<semaphore_mem>>)
      %dma_wait3A_74 = arith.constant 0 : i32
      %dma_wait3A_75 = tpu.memref_slice %arg10[%add3A_10, %dma_wait3A_74] : memref<10240x128xf32, #tpu.memory_space<vmem_shared>> -> memref<128x128xf32, #tpu.memory_space<vmem_shared>>
      %dma_wait3A_76 = arith.constant 0 : i32
      %dma_wait3A_77 = tpu.memref_slice %arg10[%add3A_10, %dma_wait3A_76] : memref<10240x128xf32, #tpu.memory_space<vmem_shared>> -> memref<128x128xf32, #tpu.memory_space<vmem_shared>>
      tpu.wait_dma2 semaphore(%run_scoped3A : memref<!tpu.dma_semaphore, #tpu.memory_space<semaphore_mem>>) src(%arg8 : memref<128x128xf32, #tpu.memory_space<vmem>>) dst(%dma_wait3A_77 : memref<128x128xf32, #tpu.memory_space<vmem_shared>>)
      tpu.yield
    }) : () -> ()
    %mul3A_11 = arith.constant 640 : i32
    %mul3A_12 = arith.muli %arg1, %mul3A_11 : i32
    %add3A_13 = arith.constant 128 : i32
    %add3A_14 = arith.addi %mul3A_12, %add3A_13 : i32
    "tpu.region"() ({
      %run_scoped3A = tpu.sem_alloc : memref<!tpu.dma_semaphore, #tpu.memory_space<semaphore_mem>>
      %dma_start3A_70 = arith.constant 0 : i32
      %dma_start3A_71 = tpu.memref_slice %arg10[%add3A_14, %dma_start3A_70] : memref<10240x128xf32, #tpu.memory_space<vmem_shared>> -> memref<128x128xf32, #tpu.memory_space<vmem_shared>>
      %dma_start3A_72 = arith.constant 0 : i32
      %dma_start3A_73 = tpu.memref_slice %arg10[%add3A_14, %dma_start3A_72] : memref<10240x128xf32, #tpu.memory_space<vmem_shared>> -> memref<128x128xf32, #tpu.memory_space<vmem_shared>>
      tpu.enqueue_dma source(%arg8 : memref<128x128xf32, #tpu.memory_space<vmem>>) target(%dma_start3A_73 : memref<128x128xf32, #tpu.memory_space<vmem_shared>>) target_semaphore(%run_scoped3A : memref<!tpu.dma_semaphore, #tpu.memory_space<semaphore_mem>>)
      %dma_wait3A_74 = arith.constant 0 : i32
      %dma_wait3A_75 = tpu.memref_slice %arg10[%add3A_14, %dma_wait3A_74] : memref<10240x128xf32, #tpu.memory_space<vmem_shared>> -> memref<128x128xf32, #tpu.memory_space<vmem_shared>>
      %dma_wait3A_76 = arith.constant 0 : i32
      %dma_wait3A_77 = tpu.memref_slice %arg10[%add3A_14, %dma_wait3A_76] : memref<10240x128xf32, #tpu.memory_space<vmem_shared>> -> memref<128x128xf32, #tpu.memory_space<vmem_shared>>
      tpu.wait_dma2 semaphore(%run_scoped3A : memref<!tpu.dma_semaphore, #tpu.memory_space<semaphore_mem>>) src(%arg8 : memref<128x128xf32, #tpu.memory_space<vmem>>) dst(%dma_wait3A_77 : memref<128x128xf32, #tpu.memory_space<vmem_shared>>)
      tpu.yield
    }) : () -> ()
    %mul3A_15 = arith.constant 640 : i32
    %mul3A_16 = arith.muli %arg1, %mul3A_15 : i32
    %add3A_17 = arith.constant 256 : i32
    %add3A_18 = arith.addi %mul3A_16, %add3A_17 : i32
    "tpu.region"() ({
      %run_scoped3A = tpu.sem_alloc : memref<!tpu.dma_semaphore, #tpu.memory_space<semaphore_mem>>
      %dma_start3A_70 = arith.constant 0 : i32
      %dma_start3A_71 = tpu.memref_slice %arg10[%add3A_18, %dma_start3A_70] : memref<10240x128xf32, #tpu.memory_space<vmem_shared>> -> memref<128x128xf32, #tpu.memory_space<vmem_shared>>
      %dma_start3A_72 = arith.constant 0 : i32
      %dma_start3A_73 = tpu.memref_slice %arg10[%add3A_18, %dma_start3A_72] : memref<10240x128xf32, #tpu.memory_space<vmem_shared>> -> memref<128x128xf32, #tpu.memory_space<vmem_shared>>
      tpu.enqueue_dma source(%arg8 : memref<128x128xf32, #tpu.memory_space<vmem>>) target(%dma_start3A_73 : memref<128x128xf32, #tpu.memory_space<vmem_shared>>) target_semaphore(%run_scoped3A : memref<!tpu.dma_semaphore, #tpu.memory_space<semaphore_mem>>)
      %dma_wait3A_74 = arith.constant 0 : i32
      %dma_wait3A_75 = tpu.memref_slice %arg10[%add3A_18, %dma_wait3A_74] : memref<10240x128xf32, #tpu.memory_space<vmem_shared>> -> memref<128x128xf32, #tpu.memory_space<vmem_shared>>
      %dma_wait3A_76 = arith.constant 0 : i32
      %dma_wait3A_77 = tpu.memref_slice %arg10[%add3A_18, %dma_wait3A_76] : memref<10240x128xf32, #tpu.memory_space<vmem_shared>> -> memref<128x128xf32, #tpu.memory_space<vmem_shared>>
      tpu.wait_dma2 semaphore(%run_scoped3A : memref<!tpu.dma_semaphore, #tpu.memory_space<semaphore_mem>>) src(%arg8 : memref<128x128xf32, #tpu.memory_space<vmem>>) dst(%dma_wait3A_77 : memref<128x128xf32, #tpu.memory_space<vmem_shared>>)
      tpu.yield
    }) : () -> ()
    %mul3A_19 = arith.constant 640 : i32
    %mul3A_20 = arith.muli %arg1, %mul3A_19 : i32
    %add3A_21 = arith.constant 384 : i32
    %add3A_22 = arith.addi %mul3A_20, %add3A_21 : i32
    "tpu.region"() ({
      %run_scoped3A = tpu.sem_alloc : memref<!tpu.dma_semaphore, #tpu.memory_space<semaphore_mem>>
      %dma_start3A_70 = arith.constant 0 : i32
      %dma_start3A_71 = tpu.memref_slice %arg10[%add3A_22, %dma_start3A_70] : memref<10240x128xf32, #tpu.memory_space<vmem_shared>> -> memref<128x128xf32, #tpu.memory_space<vmem_shared>>
      %dma_start3A_72 = arith.constant 0 : i32
      %dma_start3A_73 = tpu.memref_slice %arg10[%add3A_22, %dma_start3A_72] : memref<10240x128xf32, #tpu.memory_space<vmem_shared>> -> memref<128x128xf32, #tpu.memory_space<vmem_shared>>
      tpu.enqueue_dma source(%arg8 : memref<128x128xf32, #tpu.memory_space<vmem>>) target(%dma_start3A_73 : memref<128x128xf32, #tpu.memory_space<vmem_shared>>) target_semaphore(%run_scoped3A : memref<!tpu.dma_semaphore, #tpu.memory_space<semaphore_mem>>)
      %dma_wait3A_74 = arith.constant 0 : i32
      %dma_wait3A_75 = tpu.memref_slice %arg10[%add3A_22, %dma_wait3A_74] : memref<10240x128xf32, #tpu.memory_space<vmem_shared>> -> memref<128x128xf32, #tpu.memory_space<vmem_shared>>
      %dma_wait3A_76 = arith.constant 0 : i32
      %dma_wait3A_77 = tpu.memref_slice %arg10[%add3A_22, %dma_wait3A_76] : memref<10240x128xf32, #tpu.memory_space<vmem_shared>> -> memref<128x128xf32, #tpu.memory_space<vmem_shared>>
      tpu.wait_dma2 semaphore(%run_scoped3A : memref<!tpu.dma_semaphore, #tpu.memory_space<semaphore_mem>>) src(%arg8 : memref<128x128xf32, #tpu.memory_space<vmem>>) dst(%dma_wait3A_77 : memref<128x128xf32, #tpu.memory_space<vmem_shared>>)
      tpu.yield
    }) : () -> ()
    %mul3A_23 = arith.constant 640 : i32
    %mul3A_24 = arith.muli %arg1, %mul3A_23 : i32
    %add3A_25 = arith.constant 512 : i32
    %add3A_26 = arith.addi %mul3A_24, %add3A_25 : i32
    "tpu.region"() ({
      %run_scoped3A = tpu.sem_alloc : memref<!tpu.dma_semaphore, #tpu.memory_space<semaphore_mem>>
      %dma_start3A_70 = arith.constant 0 : i32
      %dma_start3A_71 = tpu.memref_slice %arg10[%add3A_26, %dma_start3A_70] : memref<10240x128xf32, #tpu.memory_space<vmem_shared>> -> memref<128x128xf32, #tpu.memory_space<vmem_shared>>
      %dma_start3A_72 = arith.constant 0 : i32
      %dma_start3A_73 = tpu.memref_slice %arg10[%add3A_26, %dma_start3A_72] : memref<10240x128xf32, #tpu.memory_space<vmem_shared>> -> memref<128x128xf32, #tpu.memory_space<vmem_shared>>
      tpu.enqueue_dma source(%arg8 : memref<128x128xf32, #tpu.memory_space<vmem>>) target(%dma_start3A_73 : memref<128x128xf32, #tpu.memory_space<vmem_shared>>) target_semaphore(%run_scoped3A : memref<!tpu.dma_semaphore, #tpu.memory_space<semaphore_mem>>)
      %dma_wait3A_74 = arith.constant 0 : i32
      %dma_wait3A_75 = tpu.memref_slice %arg10[%add3A_26, %dma_wait3A_74] : memref<10240x128xf32, #tpu.memory_space<vmem_shared>> -> memref<128x128xf32, #tpu.memory_space<vmem_shared>>
      %dma_wait3A_76 = arith.constant 0 : i32
      %dma_wait3A_77 = tpu.memref_slice %arg10[%add3A_26, %dma_wait3A_76] : memref<10240x128xf32, #tpu.memory_space<vmem_shared>> -> memref<128x128xf32, #tpu.memory_space<vmem_shared>>
      tpu.wait_dma2 semaphore(%run_scoped3A : memref<!tpu.dma_semaphore, #tpu.memory_space<semaphore_mem>>) src(%arg8 : memref<128x128xf32, #tpu.memory_space<vmem>>) dst(%dma_wait3A_77 : memref<128x128xf32, #tpu.memory_space<vmem_shared>>)
      tpu.yield
    }) : () -> ()
    %barrier3A = arith.constant 0 : index
    tpu.barrier barrier_id(%barrier3A)
    "tpu.region"() ({
      %run_scoped3A = tpu.sem_alloc : memref<!tpu.dma_semaphore, #tpu.memory_space<semaphore_mem>>
      %dma_start3A_70 = arith.constant 0 : i32
      %dma_start3A_71 = arith.constant 0 : i32
      %dma_start3A_72 = tpu.memref_slice %arg3[%add3A, %dma_start3A_70, %dma_start3A_71] : memref<32x80x128xi32, #tpu.memory_space<hbm>> -> memref<1x40x128xi32, #tpu.memory_space<hbm>>
      %dma_start3A_73 = tpu.memref_squeeze %dma_start3A_72 : memref<1x40x128xi32, #tpu.memory_space<hbm>> -> memref<40x128xi32, #tpu.memory_space<hbm>>
      %dma_start3A_74 = arith.constant 0 : i32
      %dma_start3A_75 = arith.constant 0 : i32
      %dma_start3A_76 = tpu.memref_slice %arg3[%add3A, %dma_start3A_74, %dma_start3A_75] : memref<32x80x128xi32, #tpu.memory_space<hbm>> -> memref<1x40x128xi32, #tpu.memory_space<hbm>>
      %dma_start3A_77 = tpu.memref_squeeze %dma_start3A_76 : memref<1x40x128xi32, #tpu.memory_space<hbm>> -> memref<40x128xi32, #tpu.memory_space<hbm>>
      tpu.enqueue_dma source(%dma_start3A_77 : memref<40x128xi32, #tpu.memory_space<hbm>>) target(%arg6 : memref<40x128xi32, #tpu.memory_space<vmem>>) target_semaphore(%run_scoped3A : memref<!tpu.dma_semaphore, #tpu.memory_space<semaphore_mem>>)
      %dma_wait3A_78 = arith.constant 0 : i32
      %dma_wait3A_79 = arith.constant 0 : i32
      %dma_wait3A_80 = tpu.memref_slice %arg3[%add3A, %dma_wait3A_78, %dma_wait3A_79] : memref<32x80x128xi32, #tpu.memory_space<hbm>> -> memref<1x40x128xi32, #tpu.memory_space<hbm>>
      %dma_wait3A_81 = tpu.memref_squeeze %dma_wait3A_80 : memref<1x40x128xi32, #tpu.memory_space<hbm>> -> memref<40x128xi32, #tpu.memory_space<hbm>>
      %dma_wait3A_82 = arith.constant 0 : i32
      %dma_wait3A_83 = arith.constant 0 : i32
      %dma_wait3A_84 = tpu.memref_slice %arg3[%add3A, %dma_wait3A_82, %dma_wait3A_83] : memref<32x80x128xi32, #tpu.memory_space<hbm>> -> memref<1x40x128xi32, #tpu.memory_space<hbm>>
      %dma_wait3A_85 = tpu.memref_squeeze %dma_wait3A_84 : memref<1x40x128xi32, #tpu.memory_space<hbm>> -> memref<40x128xi32, #tpu.memory_space<hbm>>
      tpu.wait_dma2 semaphore(%run_scoped3A : memref<!tpu.dma_semaphore, #tpu.memory_space<semaphore_mem>>) src(%dma_wait3A_85 : memref<40x128xi32, #tpu.memory_space<hbm>>) dst(%arg6 : memref<40x128xi32, #tpu.memory_space<vmem>>)
      tpu.yield
    }) : () -> ()
    "tpu.region"() ({
      %run_scoped3A = tpu.sem_alloc : memref<!tpu.dma_semaphore, #tpu.memory_space<semaphore_mem>>
      %dma_start3A_70 = arith.constant 0 : i32
      %dma_start3A_71 = arith.constant 0 : i32
      %dma_start3A_72 = tpu.memref_slice %arg4[%add3A, %dma_start3A_70, %dma_start3A_71] : memref<32x80x128xi32, #tpu.memory_space<hbm>> -> memref<1x40x128xi32, #tpu.memory_space<hbm>>
      %dma_start3A_73 = tpu.memref_squeeze %dma_start3A_72 : memref<1x40x128xi32, #tpu.memory_space<hbm>> -> memref<40x128xi32, #tpu.memory_space<hbm>>
      %dma_start3A_74 = arith.constant 0 : i32
      %dma_start3A_75 = arith.constant 0 : i32
      %dma_start3A_76 = tpu.memref_slice %arg4[%add3A, %dma_start3A_74, %dma_start3A_75] : memref<32x80x128xi32, #tpu.memory_space<hbm>> -> memref<1x40x128xi32, #tpu.memory_space<hbm>>
      %dma_start3A_77 = tpu.memref_squeeze %dma_start3A_76 : memref<1x40x128xi32, #tpu.memory_space<hbm>> -> memref<40x128xi32, #tpu.memory_space<hbm>>
      tpu.enqueue_dma source(%dma_start3A_77 : memref<40x128xi32, #tpu.memory_space<hbm>>) target(%arg7 : memref<40x128xi32, #tpu.memory_space<vmem>>) target_semaphore(%run_scoped3A : memref<!tpu.dma_semaphore, #tpu.memory_space<semaphore_mem>>)
      %dma_wait3A_78 = arith.constant 0 : i32
      %dma_wait3A_79 = arith.constant 0 : i32
      %dma_wait3A_80 = tpu.memref_slice %arg4[%add3A, %dma_wait3A_78, %dma_wait3A_79] : memref<32x80x128xi32, #tpu.memory_space<hbm>> -> memref<1x40x128xi32, #tpu.memory_space<hbm>>
      %dma_wait3A_81 = tpu.memref_squeeze %dma_wait3A_80 : memref<1x40x128xi32, #tpu.memory_space<hbm>> -> memref<40x128xi32, #tpu.memory_space<hbm>>
      %dma_wait3A_82 = arith.constant 0 : i32
      %dma_wait3A_83 = arith.constant 0 : i32
      %dma_wait3A_84 = tpu.memref_slice %arg4[%add3A, %dma_wait3A_82, %dma_wait3A_83] : memref<32x80x128xi32, #tpu.memory_space<hbm>> -> memref<1x40x128xi32, #tpu.memory_space<hbm>>
      %dma_wait3A_85 = tpu.memref_squeeze %dma_wait3A_84 : memref<1x40x128xi32, #tpu.memory_space<hbm>> -> memref<40x128xi32, #tpu.memory_space<hbm>>
      tpu.wait_dma2 semaphore(%run_scoped3A : memref<!tpu.dma_semaphore, #tpu.memory_space<semaphore_mem>>) src(%dma_wait3A_85 : memref<40x128xi32, #tpu.memory_space<hbm>>) dst(%arg7 : memref<40x128xi32, #tpu.memory_space<vmem>>)
      tpu.yield
    }) : () -> ()
    %dma_start3A = arith.constant 0 : i32
    %dma_start3A_27 = arith.constant 0 : i32
    %dma_start3A_28 = tpu.memref_slice %arg6[%dma_start3A, %dma_start3A_27] : memref<40x128xi32, #tpu.memory_space<vmem>> -> memref<1x128xi32, #tpu.memory_space<vmem>>
    %dma_start3A_29 = tpu.memref_squeeze %dma_start3A_28 : memref<1x128xi32, #tpu.memory_space<vmem>> -> memref<128xi32, #tpu.memory_space<vmem>>
    %dma_start3A_30 = arith.constant 0 : i32
    %dma_start3A_31 = arith.constant 0 : i32
    %dma_start3A_32 = tpu.memref_slice %arg2[%dma_start3A_30, %dma_start3A_31] : memref<10000x128xf32, #tpu.memory_space<hbm>> -> memref<10000x128xf32, #tpu.memory_space<hbm>>
    tpu.enqueue_indirect_dma source(%dma_start3A_32 : memref<10000x128xf32, #tpu.memory_space<hbm>>) target(%arg8 : memref<128x128xf32, #tpu.memory_space<vmem>>) offsets(%dma_start3A_29 : memref<128xi32, #tpu.memory_space<vmem>>) semaphore(%arg11 : memref<!tpu.dma_semaphore, #tpu.memory_space<semaphore_mem>>)
    %scan3A_33 = arith.constant 0 : i32
    %scan3A_34 = arith.constant 0 : i32
    %scan3A_35 = arith.constant 20 : i32
    %scan3A_36 = arith.addi %scan3A_34, %scan3A_35 : i32
    %scan3A_37 = arith.constant 1 : i32
    scf.for %scan3A_70 = %scan3A_34 to %scan3A_36 step %scan3A_37  : i32 {
      %mul3A_71 = arith.constant 2 : i32
      %mul3A_72 = arith.muli %scan3A_70, %mul3A_71 : i32
      %add3A_73 = arith.constant 0 : i32
      %add3A_74 = arith.addi %mul3A_72, %add3A_73 : i32
      %add3A_75 = arith.constant 1 : i32
      %add3A_76 = arith.addi %add3A_74, %add3A_75 : i32
      %rem3A = arith.constant 40 : i32
      %rem3A_77 = arith.remsi %add3A_76, %rem3A : i32
      %dma_start3A_78 = arith.constant 0 : i32
      %dma_start3A_79 = tpu.memref_slice %arg6[%rem3A_77, %dma_start3A_78] : memref<40x128xi32, #tpu.memory_space<vmem>> -> memref<1x128xi32, #tpu.memory_space<vmem>>
      %dma_start3A_80 = tpu.memref_squeeze %dma_start3A_79 : memref<1x128xi32, #tpu.memory_space<vmem>> -> memref<128xi32, #tpu.memory_space<vmem>>
      %dma_start3A_81 = arith.constant 0 : i32
      %dma_start3A_82 = arith.constant 0 : i32
      %dma_start3A_83 = tpu.memref_slice %arg2[%dma_start3A_81, %dma_start3A_82] : memref<10000x128xf32, #tpu.memory_space<hbm>> -> memref<10000x128xf32, #tpu.memory_space<hbm>>
      tpu.enqueue_indirect_dma source(%dma_start3A_83 : memref<10000x128xf32, #tpu.memory_space<hbm>>) target(%arg9 : memref<128x128xf32, #tpu.memory_space<vmem>>) offsets(%dma_start3A_80 : memref<128xi32, #tpu.memory_space<vmem>>) semaphore(%arg12 : memref<!tpu.dma_semaphore, #tpu.memory_space<semaphore_mem>>)
      %dma_wait3A_84 = arith.constant 0 : i32
      %dma_wait3A_85 = arith.constant 0 : i32
      %dma_wait3A_86 = tpu.memref_slice %arg6[%dma_wait3A_84, %dma_wait3A_85] : memref<40x128xi32, #tpu.memory_space<vmem>> -> memref<1x128xi32, #tpu.memory_space<vmem>>
      %dma_wait3A_87 = tpu.memref_squeeze %dma_wait3A_86 : memref<1x128xi32, #tpu.memory_space<vmem>> -> memref<128xi32, #tpu.memory_space<vmem>>
      %dma_wait3A_88 = arith.constant 0 : i32
      %dma_wait3A_89 = arith.constant 0 : i32
      %dma_wait3A_90 = tpu.memref_slice %arg2[%dma_wait3A_88, %dma_wait3A_89] : memref<10000x128xf32, #tpu.memory_space<hbm>> -> memref<10000x128xf32, #tpu.memory_space<hbm>>
      tpu.wait_indirect_dma semaphore(%arg11 : memref<!tpu.dma_semaphore, #tpu.memory_space<semaphore_mem>>) src(%dma_wait3A_90 : memref<10000x128xf32, #tpu.memory_space<hbm>>) dst(%arg8 : memref<128x128xf32, #tpu.memory_space<vmem>>)
      "tpu.region"() ({
        %run_scoped3A = tpu.sem_alloc : memref<!tpu.dma_semaphore, #tpu.memory_space<semaphore_mem>>
        %dma_start3A_112 = arith.constant 0 : i32
        %dma_start3A_113 = tpu.memref_slice %arg7[%add3A_74, %dma_start3A_112] : memref<40x128xi32, #tpu.memory_space<vmem>> -> memref<1x128xi32, #tpu.memory_space<vmem>>
        %dma_start3A_114 = tpu.memref_squeeze %dma_start3A_113 : memref<1x128xi32, #tpu.memory_space<vmem>> -> memref<128xi32, #tpu.memory_space<vmem>>
        %dma_start3A_115 = arith.constant 0 : i32
        %dma_start3A_116 = arith.constant 0 : i32
        %dma_start3A_117 = tpu.memref_slice %arg10[%dma_start3A_115, %dma_start3A_116] : memref<10240x128xf32, #tpu.memory_space<vmem_shared>> -> memref<10240x128xf32, #tpu.memory_space<vmem_shared>>
        tpu.enqueue_indirect_dma source(%arg8 : memref<128x128xf32, #tpu.memory_space<vmem>>) target(%dma_start3A_117 : memref<10240x128xf32, #tpu.memory_space<vmem_shared>>) offsets(%dma_start3A_114 : memref<128xi32, #tpu.memory_space<vmem>>) semaphore(%run_scoped3A : memref<!tpu.dma_semaphore, #tpu.memory_space<semaphore_mem>>) {add = true}
        %dma_wait3A_118 = arith.constant 0 : i32
        %dma_wait3A_119 = tpu.memref_slice %arg7[%add3A_74, %dma_wait3A_118] : memref<40x128xi32, #tpu.memory_space<vmem>> -> memref<1x128xi32, #tpu.memory_space<vmem>>
        %dma_wait3A_120 = tpu.memref_squeeze %dma_wait3A_119 : memref<1x128xi32, #tpu.memory_space<vmem>> -> memref<128xi32, #tpu.memory_space<vmem>>
        %dma_wait3A_121 = arith.constant 0 : i32
        %dma_wait3A_122 = arith.constant 0 : i32
        %dma_wait3A_123 = tpu.memref_slice %arg10[%dma_wait3A_121, %dma_wait3A_122] : memref<10240x128xf32, #tpu.memory_space<vmem_shared>> -> memref<10240x128xf32, #tpu.memory_space<vmem_shared>>
        tpu.wait_indirect_dma semaphore(%run_scoped3A : memref<!tpu.dma_semaphore, #tpu.memory_space<semaphore_mem>>) src(%arg8 : memref<128x128xf32, #tpu.memory_space<vmem>>) dst(%dma_wait3A_123 : memref<10240x128xf32, #tpu.memory_space<vmem_shared>>)
        tpu.yield
      }) : () -> ()
      %mul3A_91 = arith.constant 2 : i32
      %mul3A_92 = arith.muli %scan3A_70, %mul3A_91 : i32
      %add3A_93 = arith.constant 1 : i32
      %add3A_94 = arith.addi %mul3A_92, %add3A_93 : i32
      %add3A_95 = arith.constant 1 : i32
      %add3A_96 = arith.addi %add3A_94, %add3A_95 : i32
      %rem3A_97 = arith.constant 40 : i32
      %rem3A_98 = arith.remsi %add3A_96, %rem3A_97 : i32
      %dma_start3A_99 = arith.constant 0 : i32
      %dma_start3A_100 = tpu.memref_slice %arg6[%rem3A_98, %dma_start3A_99] : memref<40x128xi32, #tpu.memory_space<vmem>> -> memref<1x128xi32, #tpu.memory_space<vmem>>
      %dma_start3A_101 = tpu.memref_squeeze %dma_start3A_100 : memref<1x128xi32, #tpu.memory_space<vmem>> -> memref<128xi32, #tpu.memory_space<vmem>>
      %dma_start3A_102 = arith.constant 0 : i32
      %dma_start3A_103 = arith.constant 0 : i32
      %dma_start3A_104 = tpu.memref_slice %arg2[%dma_start3A_102, %dma_start3A_103] : memref<10000x128xf32, #tpu.memory_space<hbm>> -> memref<10000x128xf32, #tpu.memory_space<hbm>>
      tpu.enqueue_indirect_dma source(%dma_start3A_104 : memref<10000x128xf32, #tpu.memory_space<hbm>>) target(%arg8 : memref<128x128xf32, #tpu.memory_space<vmem>>) offsets(%dma_start3A_101 : memref<128xi32, #tpu.memory_space<vmem>>) semaphore(%arg11 : memref<!tpu.dma_semaphore, #tpu.memory_space<semaphore_mem>>)
      %dma_wait3A_105 = arith.constant 0 : i32
      %dma_wait3A_106 = arith.constant 0 : i32
      %dma_wait3A_107 = tpu.memref_slice %arg6[%dma_wait3A_105, %dma_wait3A_106] : memref<40x128xi32, #tpu.memory_space<vmem>> -> memref<1x128xi32, #tpu.memory_space<vmem>>
      %dma_wait3A_108 = tpu.memref_squeeze %dma_wait3A_107 : memref<1x128xi32, #tpu.memory_space<vmem>> -> memref<128xi32, #tpu.memory_space<vmem>>
      %dma_wait3A_109 = arith.constant 0 : i32
      %dma_wait3A_110 = arith.constant 0 : i32
      %dma_wait3A_111 = tpu.memref_slice %arg2[%dma_wait3A_109, %dma_wait3A_110] : memref<10000x128xf32, #tpu.memory_space<hbm>> -> memref<10000x128xf32, #tpu.memory_space<hbm>>
      tpu.wait_indirect_dma semaphore(%arg12 : memref<!tpu.dma_semaphore, #tpu.memory_space<semaphore_mem>>) src(%dma_wait3A_111 : memref<10000x128xf32, #tpu.memory_space<hbm>>) dst(%arg9 : memref<128x128xf32, #tpu.memory_space<vmem>>)
      "tpu.region"() ({
        %run_scoped3A = tpu.sem_alloc : memref<!tpu.dma_semaphore, #tpu.memory_space<semaphore_mem>>
        %dma_start3A_112 = arith.constant 0 : i32
        %dma_start3A_113 = tpu.memref_slice %arg7[%add3A_94, %dma_start3A_112] : memref<40x128xi32, #tpu.memory_space<vmem>> -> memref<1x128xi32, #tpu.memory_space<vmem>>
        %dma_start3A_114 = tpu.memref_squeeze %dma_start3A_113 : memref<1x128xi32, #tpu.memory_space<vmem>> -> memref<128xi32, #tpu.memory_space<vmem>>
        %dma_start3A_115 = arith.constant 0 : i32
        %dma_start3A_116 = arith.constant 0 : i32
        %dma_start3A_117 = tpu.memref_slice %arg10[%dma_start3A_115, %dma_start3A_116] : memref<10240x128xf32, #tpu.memory_space<vmem_shared>> -> memref<10240x128xf32, #tpu.memory_space<vmem_shared>>
        tpu.enqueue_indirect_dma source(%arg9 : memref<128x128xf32, #tpu.memory_space<vmem>>) target(%dma_start3A_117 : memref<10240x128xf32, #tpu.memory_space<vmem_shared>>) offsets(%dma_start3A_114 : memref<128xi32, #tpu.memory_space<vmem>>) semaphore(%run_scoped3A : memref<!tpu.dma_semaphore, #tpu.memory_space<semaphore_mem>>) {add = true}
        %dma_wait3A_118 = arith.constant 0 : i32
        %dma_wait3A_119 = tpu.memref_slice %arg7[%add3A_94, %dma_wait3A_118] : memref<40x128xi32, #tpu.memory_space<vmem>> -> memref<1x128xi32, #tpu.memory_space<vmem>>
        %dma_wait3A_120 = tpu.memref_squeeze %dma_wait3A_119 : memref<1x128xi32, #tpu.memory_space<vmem>> -> memref<128xi32, #tpu.memory_space<vmem>>
        %dma_wait3A_121 = arith.constant 0 : i32
        %dma_wait3A_122 = arith.constant 0 : i32
        %dma_wait3A_123 = tpu.memref_slice %arg10[%dma_wait3A_121, %dma_wait3A_122] : memref<10240x128xf32, #tpu.memory_space<vmem_shared>> -> memref<10240x128xf32, #tpu.memory_space<vmem_shared>>
        tpu.wait_indirect_dma semaphore(%run_scoped3A : memref<!tpu.dma_semaphore, #tpu.memory_space<semaphore_mem>>) src(%arg9 : memref<128x128xf32, #tpu.memory_space<vmem>>) dst(%dma_wait3A_123 : memref<10240x128xf32, #tpu.memory_space<vmem_shared>>)
        tpu.yield
      }) : () -> ()
    }
    %scan3A_38 = arith.constant 20 : i32
    %dma_wait3A = arith.constant 0 : i32
    %dma_wait3A_39 = arith.constant 0 : i32
    %dma_wait3A_40 = tpu.memref_slice %arg6[%dma_wait3A, %dma_wait3A_39] : memref<40x128xi32, #tpu.memory_space<vmem>> -> memref<1x128xi32, #tpu.memory_space<vmem>>
    %dma_wait3A_41 = tpu.memref_squeeze %dma_wait3A_40 : memref<1x128xi32, #tpu.memory_space<vmem>> -> memref<128xi32, #tpu.memory_space<vmem>>
    %dma_wait3A_42 = arith.constant 0 : i32
    %dma_wait3A_43 = arith.constant 0 : i32
    %dma_wait3A_44 = tpu.memref_slice %arg2[%dma_wait3A_42, %dma_wait3A_43] : memref<10000x128xf32, #tpu.memory_space<hbm>> -> memref<10000x128xf32, #tpu.memory_space<hbm>>
    tpu.wait_indirect_dma semaphore(%arg11 : memref<!tpu.dma_semaphore, #tpu.memory_space<semaphore_mem>>) src(%dma_wait3A_44 : memref<10000x128xf32, #tpu.memory_space<hbm>>) dst(%arg8 : memref<128x128xf32, #tpu.memory_space<vmem>>)
    "tpu.region"() ({
      %run_scoped3A = tpu.sem_alloc : memref<!tpu.dma_semaphore, #tpu.memory_space<semaphore_mem>>
      %dma_start3A_70 = arith.constant 40 : i32
      %dma_start3A_71 = arith.constant 0 : i32
      %dma_start3A_72 = tpu.memref_slice %arg3[%add3A, %dma_start3A_70, %dma_start3A_71] : memref<32x80x128xi32, #tpu.memory_space<hbm>> -> memref<1x40x128xi32, #tpu.memory_space<hbm>>
      %dma_start3A_73 = tpu.memref_squeeze %dma_start3A_72 : memref<1x40x128xi32, #tpu.memory_space<hbm>> -> memref<40x128xi32, #tpu.memory_space<hbm>>
      %dma_start3A_74 = arith.constant 40 : i32
      %dma_start3A_75 = arith.constant 0 : i32
      %dma_start3A_76 = tpu.memref_slice %arg3[%add3A, %dma_start3A_74, %dma_start3A_75] : memref<32x80x128xi32, #tpu.memory_space<hbm>> -> memref<1x40x128xi32, #tpu.memory_space<hbm>>
      %dma_start3A_77 = tpu.memref_squeeze %dma_start3A_76 : memref<1x40x128xi32, #tpu.memory_space<hbm>> -> memref<40x128xi32, #tpu.memory_space<hbm>>
      tpu.enqueue_dma source(%dma_start3A_77 : memref<40x128xi32, #tpu.memory_space<hbm>>) target(%arg6 : memref<40x128xi32, #tpu.memory_space<vmem>>) target_semaphore(%run_scoped3A : memref<!tpu.dma_semaphore, #tpu.memory_space<semaphore_mem>>)
      %dma_wait3A_78 = arith.constant 40 : i32
      %dma_wait3A_79 = arith.constant 0 : i32
      %dma_wait3A_80 = tpu.memref_slice %arg3[%add3A, %dma_wait3A_78, %dma_wait3A_79] : memref<32x80x128xi32, #tpu.memory_space<hbm>> -> memref<1x40x128xi32, #tpu.memory_space<hbm>>
      %dma_wait3A_81 = tpu.memref_squeeze %dma_wait3A_80 : memref<1x40x128xi32, #tpu.memory_space<hbm>> -> memref<40x128xi32, #tpu.memory_space<hbm>>
      %dma_wait3A_82 = arith.constant 40 : i32
      %dma_wait3A_83 = arith.constant 0 : i32
      %dma_wait3A_84 = tpu.memref_slice %arg3[%add3A, %dma_wait3A_82, %dma_wait3A_83] : memref<32x80x128xi32, #tpu.memory_space<hbm>> -> memref<1x40x128xi32, #tpu.memory_space<hbm>>
      %dma_wait3A_85 = tpu.memref_squeeze %dma_wait3A_84 : memref<1x40x128xi32, #tpu.memory_space<hbm>> -> memref<40x128xi32, #tpu.memory_space<hbm>>
      tpu.wait_dma2 semaphore(%run_scoped3A : memref<!tpu.dma_semaphore, #tpu.memory_space<semaphore_mem>>) src(%dma_wait3A_85 : memref<40x128xi32, #tpu.memory_space<hbm>>) dst(%arg6 : memref<40x128xi32, #tpu.memory_space<vmem>>)
      tpu.yield
    }) : () -> ()
    "tpu.region"() ({
      %run_scoped3A = tpu.sem_alloc : memref<!tpu.dma_semaphore, #tpu.memory_space<semaphore_mem>>
      %dma_start3A_70 = arith.constant 40 : i32
      %dma_start3A_71 = arith.constant 0 : i32
      %dma_start3A_72 = tpu.memref_slice %arg4[%add3A, %dma_start3A_70, %dma_start3A_71] : memref<32x80x128xi32, #tpu.memory_space<hbm>> -> memref<1x40x128xi32, #tpu.memory_space<hbm>>
      %dma_start3A_73 = tpu.memref_squeeze %dma_start3A_72 : memref<1x40x128xi32, #tpu.memory_space<hbm>> -> memref<40x128xi32, #tpu.memory_space<hbm>>
      %dma_start3A_74 = arith.constant 40 : i32
      %dma_start3A_75 = arith.constant 0 : i32
      %dma_start3A_76 = tpu.memref_slice %arg4[%add3A, %dma_start3A_74, %dma_start3A_75] : memref<32x80x128xi32, #tpu.memory_space<hbm>> -> memref<1x40x128xi32, #tpu.memory_space<hbm>>
      %dma_start3A_77 = tpu.memref_squeeze %dma_start3A_76 : memref<1x40x128xi32, #tpu.memory_space<hbm>> -> memref<40x128xi32, #tpu.memory_space<hbm>>
      tpu.enqueue_dma source(%dma_start3A_77 : memref<40x128xi32, #tpu.memory_space<hbm>>) target(%arg7 : memref<40x128xi32, #tpu.memory_space<vmem>>) target_semaphore(%run_scoped3A : memref<!tpu.dma_semaphore, #tpu.memory_space<semaphore_mem>>)
      %dma_wait3A_78 = arith.constant 40 : i32
      %dma_wait3A_79 = arith.constant 0 : i32
      %dma_wait3A_80 = tpu.memref_slice %arg4[%add3A, %dma_wait3A_78, %dma_wait3A_79] : memref<32x80x128xi32, #tpu.memory_space<hbm>> -> memref<1x40x128xi32, #tpu.memory_space<hbm>>
      %dma_wait3A_81 = tpu.memref_squeeze %dma_wait3A_80 : memref<1x40x128xi32, #tpu.memory_space<hbm>> -> memref<40x128xi32, #tpu.memory_space<hbm>>
      %dma_wait3A_82 = arith.constant 40 : i32
      %dma_wait3A_83 = arith.constant 0 : i32
      %dma_wait3A_84 = tpu.memref_slice %arg4[%add3A, %dma_wait3A_82, %dma_wait3A_83] : memref<32x80x128xi32, #tpu.memory_space<hbm>> -> memref<1x40x128xi32, #tpu.memory_space<hbm>>
      %dma_wait3A_85 = tpu.memref_squeeze %dma_wait3A_84 : memref<1x40x128xi32, #tpu.memory_space<hbm>> -> memref<40x128xi32, #tpu.memory_space<hbm>>
      tpu.wait_dma2 semaphore(%run_scoped3A : memref<!tpu.dma_semaphore, #tpu.memory_space<semaphore_mem>>) src(%dma_wait3A_85 : memref<40x128xi32, #tpu.memory_space<hbm>>) dst(%arg7 : memref<40x128xi32, #tpu.memory_space<vmem>>)
      tpu.yield
    }) : () -> ()
    %dma_start3A_45 = arith.constant 0 : i32
    %dma_start3A_46 = arith.constant 0 : i32
    %dma_start3A_47 = tpu.memref_slice %arg6[%dma_start3A_45, %dma_start3A_46] : memref<40x128xi32, #tpu.memory_space<vmem>> -> memref<1x128xi32, #tpu.memory_space<vmem>>
    %dma_start3A_48 = tpu.memref_squeeze %dma_start3A_47 : memref<1x128xi32, #tpu.memory_space<vmem>> -> memref<128xi32, #tpu.memory_space<vmem>>
    %dma_start3A_49 = arith.constant 0 : i32
    %dma_start3A_50 = arith.constant 0 : i32
    %dma_start3A_51 = tpu.memref_slice %arg2[%dma_start3A_49, %dma_start3A_50] : memref<10000x128xf32, #tpu.memory_space<hbm>> -> memref<10000x128xf32, #tpu.memory_space<hbm>>
    tpu.enqueue_indirect_dma source(%dma_start3A_51 : memref<10000x128xf32, #tpu.memory_space<hbm>>) target(%arg8 : memref<128x128xf32, #tpu.memory_space<vmem>>) offsets(%dma_start3A_48 : memref<128xi32, #tpu.memory_space<vmem>>) semaphore(%arg11 : memref<!tpu.dma_semaphore, #tpu.memory_space<semaphore_mem>>)
    %scan3A_52 = arith.constant 0 : i32
    %scan3A_53 = arith.constant 0 : i32
    %scan3A_54 = arith.constant 20 : i32
    %scan3A_55 = arith.addi %scan3A_53, %scan3A_54 : i32
    %scan3A_56 = arith.constant 1 : i32
    scf.for %scan3A_70 = %scan3A_53 to %scan3A_55 step %scan3A_56  : i32 {
      %mul3A_71 = arith.constant 2 : i32
      %mul3A_72 = arith.muli %scan3A_70, %mul3A_71 : i32
      %add3A_73 = arith.constant 0 : i32
      %add3A_74 = arith.addi %mul3A_72, %add3A_73 : i32
      %add3A_75 = arith.constant 1 : i32
      %add3A_76 = arith.addi %add3A_74, %add3A_75 : i32
      %rem3A = arith.constant 40 : i32
      %rem3A_77 = arith.remsi %add3A_76, %rem3A : i32
      %dma_start3A_78 = arith.constant 0 : i32
      %dma_start3A_79 = tpu.memref_slice %arg6[%rem3A_77, %dma_start3A_78] : memref<40x128xi32, #tpu.memory_space<vmem>> -> memref<1x128xi32, #tpu.memory_space<vmem>>
      %dma_start3A_80 = tpu.memref_squeeze %dma_start3A_79 : memref<1x128xi32, #tpu.memory_space<vmem>> -> memref<128xi32, #tpu.memory_space<vmem>>
      %dma_start3A_81 = arith.constant 0 : i32
      %dma_start3A_82 = arith.constant 0 : i32
      %dma_start3A_83 = tpu.memref_slice %arg2[%dma_start3A_81, %dma_start3A_82] : memref<10000x128xf32, #tpu.memory_space<hbm>> -> memref<10000x128xf32, #tpu.memory_space<hbm>>
      tpu.enqueue_indirect_dma source(%dma_start3A_83 : memref<10000x128xf32, #tpu.memory_space<hbm>>) target(%arg9 : memref<128x128xf32, #tpu.memory_space<vmem>>) offsets(%dma_start3A_80 : memref<128xi32, #tpu.memory_space<vmem>>) semaphore(%arg12 : memref<!tpu.dma_semaphore, #tpu.memory_space<semaphore_mem>>)
      %dma_wait3A_84 = arith.constant 0 : i32
      %dma_wait3A_85 = arith.constant 0 : i32
      %dma_wait3A_86 = tpu.memref_slice %arg6[%dma_wait3A_84, %dma_wait3A_85] : memref<40x128xi32, #tpu.memory_space<vmem>> -> memref<1x128xi32, #tpu.memory_space<vmem>>
      %dma_wait3A_87 = tpu.memref_squeeze %dma_wait3A_86 : memref<1x128xi32, #tpu.memory_space<vmem>> -> memref<128xi32, #tpu.memory_space<vmem>>
      %dma_wait3A_88 = arith.constant 0 : i32
      %dma_wait3A_89 = arith.constant 0 : i32
      %dma_wait3A_90 = tpu.memref_slice %arg2[%dma_wait3A_88, %dma_wait3A_89] : memref<10000x128xf32, #tpu.memory_space<hbm>> -> memref<10000x128xf32, #tpu.memory_space<hbm>>
      tpu.wait_indirect_dma semaphore(%arg11 : memref<!tpu.dma_semaphore, #tpu.memory_space<semaphore_mem>>) src(%dma_wait3A_90 : memref<10000x128xf32, #tpu.memory_space<hbm>>) dst(%arg8 : memref<128x128xf32, #tpu.memory_space<vmem>>)
      "tpu.region"() ({
        %run_scoped3A = tpu.sem_alloc : memref<!tpu.dma_semaphore, #tpu.memory_space<semaphore_mem>>
        %dma_start3A_112 = arith.constant 0 : i32
        %dma_start3A_113 = tpu.memref_slice %arg7[%add3A_74, %dma_start3A_112] : memref<40x128xi32, #tpu.memory_space<vmem>> -> memref<1x128xi32, #tpu.memory_space<vmem>>
        %dma_start3A_114 = tpu.memref_squeeze %dma_start3A_113 : memref<1x128xi32, #tpu.memory_space<vmem>> -> memref<128xi32, #tpu.memory_space<vmem>>
        %dma_start3A_115 = arith.constant 0 : i32
        %dma_start3A_116 = arith.constant 0 : i32
        %dma_start3A_117 = tpu.memref_slice %arg10[%dma_start3A_115, %dma_start3A_116] : memref<10240x128xf32, #tpu.memory_space<vmem_shared>> -> memref<10240x128xf32, #tpu.memory_space<vmem_shared>>
        tpu.enqueue_indirect_dma source(%arg8 : memref<128x128xf32, #tpu.memory_space<vmem>>) target(%dma_start3A_117 : memref<10240x128xf32, #tpu.memory_space<vmem_shared>>) offsets(%dma_start3A_114 : memref<128xi32, #tpu.memory_space<vmem>>) semaphore(%run_scoped3A : memref<!tpu.dma_semaphore, #tpu.memory_space<semaphore_mem>>) {add = true}
        %dma_wait3A_118 = arith.constant 0 : i32
        %dma_wait3A_119 = tpu.memref_slice %arg7[%add3A_74, %dma_wait3A_118] : memref<40x128xi32, #tpu.memory_space<vmem>> -> memref<1x128xi32, #tpu.memory_space<vmem>>
        %dma_wait3A_120 = tpu.memref_squeeze %dma_wait3A_119 : memref<1x128xi32, #tpu.memory_space<vmem>> -> memref<128xi32, #tpu.memory_space<vmem>>
        %dma_wait3A_121 = arith.constant 0 : i32
        %dma_wait3A_122 = arith.constant 0 : i32
        %dma_wait3A_123 = tpu.memref_slice %arg10[%dma_wait3A_121, %dma_wait3A_122] : memref<10240x128xf32, #tpu.memory_space<vmem_shared>> -> memref<10240x128xf32, #tpu.memory_space<vmem_shared>>
        tpu.wait_indirect_dma semaphore(%run_scoped3A : memref<!tpu.dma_semaphore, #tpu.memory_space<semaphore_mem>>) src(%arg8 : memref<128x128xf32, #tpu.memory_space<vmem>>) dst(%dma_wait3A_123 : memref<10240x128xf32, #tpu.memory_space<vmem_shared>>)
        tpu.yield
      }) : () -> ()
      %mul3A_91 = arith.constant 2 : i32
      %mul3A_92 = arith.muli %scan3A_70, %mul3A_91 : i32
      %add3A_93 = arith.constant 1 : i32
      %add3A_94 = arith.addi %mul3A_92, %add3A_93 : i32
      %add3A_95 = arith.constant 1 : i32
      %add3A_96 = arith.addi %add3A_94, %add3A_95 : i32
      %rem3A_97 = arith.constant 40 : i32
      %rem3A_98 = arith.remsi %add3A_96, %rem3A_97 : i32
      %dma_start3A_99 = arith.constant 0 : i32
      %dma_start3A_100 = tpu.memref_slice %arg6[%rem3A_98, %dma_start3A_99] : memref<40x128xi32, #tpu.memory_space<vmem>> -> memref<1x128xi32, #tpu.memory_space<vmem>>
      %dma_start3A_101 = tpu.memref_squeeze %dma_start3A_100 : memref<1x128xi32, #tpu.memory_space<vmem>> -> memref<128xi32, #tpu.memory_space<vmem>>
      %dma_start3A_102 = arith.constant 0 : i32
      %dma_start3A_103 = arith.constant 0 : i32
      %dma_start3A_104 = tpu.memref_slice %arg2[%dma_start3A_102, %dma_start3A_103] : memref<10000x128xf32, #tpu.memory_space<hbm>> -> memref<10000x128xf32, #tpu.memory_space<hbm>>
      tpu.enqueue_indirect_dma source(%dma_start3A_104 : memref<10000x128xf32, #tpu.memory_space<hbm>>) target(%arg8 : memref<128x128xf32, #tpu.memory_space<vmem>>) offsets(%dma_start3A_101 : memref<128xi32, #tpu.memory_space<vmem>>) semaphore(%arg11 : memref<!tpu.dma_semaphore, #tpu.memory_space<semaphore_mem>>)
      %dma_wait3A_105 = arith.constant 0 : i32
      %dma_wait3A_106 = arith.constant 0 : i32
      %dma_wait3A_107 = tpu.memref_slice %arg6[%dma_wait3A_105, %dma_wait3A_106] : memref<40x128xi32, #tpu.memory_space<vmem>> -> memref<1x128xi32, #tpu.memory_space<vmem>>
      %dma_wait3A_108 = tpu.memref_squeeze %dma_wait3A_107 : memref<1x128xi32, #tpu.memory_space<vmem>> -> memref<128xi32, #tpu.memory_space<vmem>>
      %dma_wait3A_109 = arith.constant 0 : i32
      %dma_wait3A_110 = arith.constant 0 : i32
      %dma_wait3A_111 = tpu.memref_slice %arg2[%dma_wait3A_109, %dma_wait3A_110] : memref<10000x128xf32, #tpu.memory_space<hbm>> -> memref<10000x128xf32, #tpu.memory_space<hbm>>
      tpu.wait_indirect_dma semaphore(%arg12 : memref<!tpu.dma_semaphore, #tpu.memory_space<semaphore_mem>>) src(%dma_wait3A_111 : memref<10000x128xf32, #tpu.memory_space<hbm>>) dst(%arg9 : memref<128x128xf32, #tpu.memory_space<vmem>>)
      "tpu.region"() ({
        %run_scoped3A = tpu.sem_alloc : memref<!tpu.dma_semaphore, #tpu.memory_space<semaphore_mem>>
        %dma_start3A_112 = arith.constant 0 : i32
        %dma_start3A_113 = tpu.memref_slice %arg7[%add3A_94, %dma_start3A_112] : memref<40x128xi32, #tpu.memory_space<vmem>> -> memref<1x128xi32, #tpu.memory_space<vmem>>
        %dma_start3A_114 = tpu.memref_squeeze %dma_start3A_113 : memref<1x128xi32, #tpu.memory_space<vmem>> -> memref<128xi32, #tpu.memory_space<vmem>>
        %dma_start3A_115 = arith.constant 0 : i32
        %dma_start3A_116 = arith.constant 0 : i32
        %dma_start3A_117 = tpu.memref_slice %arg10[%dma_start3A_115, %dma_start3A_116] : memref<10240x128xf32, #tpu.memory_space<vmem_shared>> -> memref<10240x128xf32, #tpu.memory_space<vmem_shared>>
        tpu.enqueue_indirect_dma source(%arg9 : memref<128x128xf32, #tpu.memory_space<vmem>>) target(%dma_start3A_117 : memref<10240x128xf32, #tpu.memory_space<vmem_shared>>) offsets(%dma_start3A_114 : memref<128xi32, #tpu.memory_space<vmem>>) semaphore(%run_scoped3A : memref<!tpu.dma_semaphore, #tpu.memory_space<semaphore_mem>>) {add = true}
        %dma_wait3A_118 = arith.constant 0 : i32
        %dma_wait3A_119 = tpu.memref_slice %arg7[%add3A_94, %dma_wait3A_118] : memref<40x128xi32, #tpu.memory_space<vmem>> -> memref<1x128xi32, #tpu.memory_space<vmem>>
        %dma_wait3A_120 = tpu.memref_squeeze %dma_wait3A_119 : memref<1x128xi32, #tpu.memory_space<vmem>> -> memref<128xi32, #tpu.memory_space<vmem>>
        %dma_wait3A_121 = arith.constant 0 : i32
        %dma_wait3A_122 = arith.constant 0 : i32
        %dma_wait3A_123 = tpu.memref_slice %arg10[%dma_wait3A_121, %dma_wait3A_122] : memref<10240x128xf32, #tpu.memory_space<vmem_shared>> -> memref<10240x128xf32, #tpu.memory_space<vmem_shared>>
        tpu.wait_indirect_dma semaphore(%run_scoped3A : memref<!tpu.dma_semaphore, #tpu.memory_space<semaphore_mem>>) src(%arg9 : memref<128x128xf32, #tpu.memory_space<vmem>>) dst(%dma_wait3A_123 : memref<10240x128xf32, #tpu.memory_space<vmem_shared>>)
        tpu.yield
      }) : () -> ()
    }
    %scan3A_57 = arith.constant 20 : i32
    %dma_wait3A_58 = arith.constant 0 : i32
    %dma_wait3A_59 = arith.constant 0 : i32
    %dma_wait3A_60 = tpu.memref_slice %arg6[%dma_wait3A_58, %dma_wait3A_59] : memref<40x128xi32, #tpu.memory_space<vmem>> -> memref<1x128xi32, #tpu.memory_space<vmem>>
    %dma_wait3A_61 = tpu.memref_squeeze %dma_wait3A_60 : memref<1x128xi32, #tpu.memory_space<vmem>> -> memref<128xi32, #tpu.memory_space<vmem>>
    %dma_wait3A_62 = arith.constant 0 : i32
    %dma_wait3A_63 = arith.constant 0 : i32
    %dma_wait3A_64 = tpu.memref_slice %arg2[%dma_wait3A_62, %dma_wait3A_63] : memref<10000x128xf32, #tpu.memory_space<hbm>> -> memref<10000x128xf32, #tpu.memory_space<hbm>>
    tpu.wait_indirect_dma semaphore(%arg11 : memref<!tpu.dma_semaphore, #tpu.memory_space<semaphore_mem>>) src(%dma_wait3A_64 : memref<10000x128xf32, #tpu.memory_space<hbm>>) dst(%arg8 : memref<128x128xf32, #tpu.memory_space<vmem>>)
    %barrier3A_65 = arith.constant 0 : index
    tpu.barrier barrier_id(%barrier3A_65)
    %mul3A_66 = arith.constant 640 : i32
    %mul3A_67 = arith.muli %arg1, %mul3A_66 : i32
    %mul3A_68 = arith.constant 640 : i32
    %mul3A_69 = arith.muli %arg1, %mul3A_68 : i32
    "tpu.region"() ({
      %run_scoped3A = tpu.sem_alloc : memref<!tpu.dma_semaphore, #tpu.memory_space<semaphore_mem>>
      %dma_start3A_70 = arith.constant 0 : i32
      %dma_start3A_71 = tpu.memref_slice %arg5[%arg0, %mul3A_69, %dma_start3A_70] : memref<2x10240x128xf32, #tpu.memory_space<hbm>> -> memref<1x640x128xf32, #tpu.memory_space<hbm>>
      %dma_start3A_72 = tpu.memref_squeeze %dma_start3A_71 : memref<1x640x128xf32, #tpu.memory_space<hbm>> -> memref<640x128xf32, #tpu.memory_space<hbm>>
      %dma_start3A_73 = arith.constant 0 : i32
      %dma_start3A_74 = tpu.memref_slice %arg10[%mul3A_67, %dma_start3A_73] : memref<10240x128xf32, #tpu.memory_space<vmem_shared>> -> memref<640x128xf32, #tpu.memory_space<vmem_shared>>
      tpu.enqueue_dma source(%dma_start3A_74 : memref<640x128xf32, #tpu.memory_space<vmem_shared>>) target(%dma_start3A_72 : memref<640x128xf32, #tpu.memory_space<hbm>>) target_semaphore(%run_scoped3A : memref<!tpu.dma_semaphore, #tpu.memory_space<semaphore_mem>>)
      %dma_wait3A_75 = arith.constant 0 : i32
      %dma_wait3A_76 = tpu.memref_slice %arg5[%arg0, %mul3A_69, %dma_wait3A_75] : memref<2x10240x128xf32, #tpu.memory_space<hbm>> -> memref<1x640x128xf32, #tpu.memory_space<hbm>>
      %dma_wait3A_77 = tpu.memref_squeeze %dma_wait3A_76 : memref<1x640x128xf32, #tpu.memory_space<hbm>> -> memref<640x128xf32, #tpu.memory_space<hbm>>
      %dma_wait3A_78 = arith.constant 0 : i32
      %dma_wait3A_79 = tpu.memref_slice %arg10[%mul3A_67, %dma_wait3A_78] : memref<10240x128xf32, #tpu.memory_space<vmem_shared>> -> memref<640x128xf32, #tpu.memory_space<vmem_shared>>
      tpu.wait_dma2 semaphore(%run_scoped3A : memref<!tpu.dma_semaphore, #tpu.memory_space<semaphore_mem>>) src(%dma_wait3A_79 : memref<640x128xf32, #tpu.memory_space<vmem_shared>>) dst(%dma_wait3A_77 : memref<640x128xf32, #tpu.memory_space<hbm>>)
      tpu.yield
    }) : () -> ()
    return
  }
}

module attributes {stable_mosaic.version = 14 : i64} {
  func.func @_prep_body(%arg0: i32, %arg1: memref<5000x128xf32, #tpu.memory_space<vmem>>, %arg2: memref<128x64xf32, #tpu.memory_space<vmem>>, %arg3: memref<5000x128xf32, #tpu.memory_space<vmem>>) attributes {dimension_semantics = [#tpu.dimension_semantics<arbitrary>], iteration_bounds = array<i64: 2>, scalar_prefetch = 0 : i64, scratch_operands = 0 : i64, tpu.core_type = #tpu.core_type<tc>, window_params = [{transform_indices = @transform_0, window_bounds = array<i64: 5000, 128>}, {pipeline_mode = #tpu.pipeline_mode<synchronous>, transform_indices = @transform_1, window_bounds = array<i64: 128, 64>}, {transform_indices = @transform_2, window_bounds = array<i64: 5000, 128>}]} {
    %get3A = arith.constant 0 : index
    %get3A_0 = arith.constant 0 : index
    %get3A_1 = vector.load %arg1[%get3A, %get3A_0] : memref<5000x128xf32, #tpu.memory_space<vmem>>, vector<5000x128xf32>
    %get3A_2 = arith.constant 0 : index
    %get3A_3 = arith.constant 0 : index
    %get3A_4 = vector.load %arg2[%get3A_2, %get3A_3] : memref<128x64xf32, #tpu.memory_space<vmem>>, vector<128x64xf32>
    %dot_general3A = arith.constant dense<0.000000e+00> : vector<5000x64xf32>
    %dot_general3A_5 = tpu.matmul %get3A_1, %get3A_4, %dot_general3A {dimension_numbers = #tpu.dot_dimension_numbers<[1], [0], [0], [1], [0, 0, 1, 1], [], []>, transpose_lhs_hint = false} : vector<5000x128xf32>, vector<128x64xf32>, vector<5000x64xf32> -> vector<5000x64xf32>
    %abs3A = math.absf %dot_general3A_5 : vector<5000x64xf32>
    %max3A = arith.constant 1.000000e-30 : f32
    %max3A_6 = vector.broadcast %max3A : f32 to vector<5000x64xf32>
    %max3A_7 = arith.maximumf %abs3A, %max3A_6 : vector<5000x64xf32>
    %log3A = math.log %max3A_7 : vector<5000x64xf32>
    %lt3A = arith.constant 0.000000e+00 : f32
    %lt3A_8 = vector.broadcast %lt3A : f32 to vector<5000x64xf32>
    %lt3A_9 = arith.cmpf olt, %dot_general3A_5, %lt3A_8 : vector<5000x64xf32>
    %jit3A = arith.constant 3.000000e+00 : f32
    %jit3A_10 = arith.constant 2.000000e+00 : f32
    %broadcast_in_dim3A = vector.broadcast %jit3A : f32 to vector<5000x64xf32>
    %broadcast_in_dim3A_11 = vector.broadcast %jit3A_10 : f32 to vector<5000x64xf32>
    %select_n3A = arith.select %lt3A_9, %broadcast_in_dim3A, %broadcast_in_dim3A_11 : vector<5000x64xi1>, vector<5000x64xf32>
    %concatenate3A = tpu.concatenate %log3A, %select_n3A in 1 : vector<5000x64xf32>, vector<5000x64xf32> -> vector<5000x128xf32>
    %swap3A = arith.constant 0 : index
    %swap3A_12 = arith.constant 0 : index
    %swap3A_13 = vector.load %arg3[%swap3A, %swap3A_12] : memref<5000x128xf32, #tpu.memory_space<vmem>>, vector<5000x128xf32>
    tpu.vector_store %arg3[%swap3A, %swap3A_12], %concatenate3A {strides = array<i32>} : memref<5000x128xf32, #tpu.memory_space<vmem>>, vector<5000x128xf32>,
    return
  }
  func.func @transform_0(%arg0: i32) -> (i32, i32) {
    %c0_i32 = arith.constant 0 : i32
    %c0_i32_0 = arith.constant 0 : i32
    return %arg0, %c0_i32 : i32, i32
  }
  func.func @transform_1(%arg0: i32) -> (i32, i32) {
    %c0_i32 = arith.constant 0 : i32
    %c0_i32_0 = arith.constant 0 : i32
    %c0_i32_1 = arith.constant 0 : i32
    return %c0_i32, %c0_i32_0 : i32, i32
  }
  func.func @transform_2(%arg0: i32) -> (i32, i32) {
    %c0_i32 = arith.constant 0 : i32
    %c0_i32_0 = arith.constant 0 : i32
    return %arg0, %c0_i32 : i32, i32
  }
}

module attributes {stable_mosaic.version = 14 : i64} {
  func.func @_finish_body(%arg0: i32, %arg1: memref<2x5000x128xf32, #tpu.memory_space<vmem>>, %arg2: memref<128x64xf32, #tpu.memory_space<vmem>>, %arg3: memref<5000x128xf32, #tpu.memory_space<vmem>>) attributes {dimension_semantics = [#tpu.dimension_semantics<arbitrary>], iteration_bounds = array<i64: 2>, scalar_prefetch = 0 : i64, scratch_operands = 0 : i64, tpu.core_type = #tpu.core_type<tc>, window_params = [{transform_indices = @transform_0, window_bounds = array<i64: 2, 5000, 128>}, {pipeline_mode = #tpu.pipeline_mode<synchronous>, transform_indices = @transform_1, window_bounds = array<i64: 128, 64>}, {transform_indices = @transform_2, window_bounds = array<i64: 5000, 128>}]} {
    %get3A = arith.constant 0 : index
    %get3A_0 = arith.constant 0 : index
    %get3A_1 = arith.constant 0 : index
    %get3A_2 = vector.load %arg1[%get3A, %get3A_0, %get3A_1] : memref<2x5000x128xf32, #tpu.memory_space<vmem>>, vector<1x5000x128xf32>
    %get3A_3 = vector.shape_cast %get3A_2 : vector<1x5000x128xf32> to vector<5000x128xf32>
    %get3A_4 = arith.constant 1 : index
    %get3A_5 = arith.constant 0 : index
    %get3A_6 = arith.constant 0 : index
    %get3A_7 = vector.load %arg1[%get3A_4, %get3A_5, %get3A_6] : memref<2x5000x128xf32, #tpu.memory_space<vmem>>, vector<1x5000x128xf32>
    %get3A_8 = vector.shape_cast %get3A_7 : vector<1x5000x128xf32> to vector<5000x128xf32>
    %add3A = arith.addf %get3A_3, %get3A_8 : vector<5000x128xf32>
    %slice3A = vector.extract_strided_slice %add3A {offsets = [0, 0], sizes = [5000, 64], strides = [1, 1]} : vector<5000x128xf32> to vector<5000x64xf32>
    %slice3A_9 = vector.extract_strided_slice %add3A {offsets = [0, 64], sizes = [5000, 64], strides = [1, 1]} : vector<5000x128xf32> to vector<5000x64xf32>
    %jit3A = arith.constant 2.000000e+00 : f32
    %rem3A = vector.broadcast %jit3A : f32 to vector<5000x64xf32>
    %rem3A_10 = arith.remf %slice3A_9, %rem3A : vector<5000x64xf32>
    %ne3A = arith.constant 0.000000e+00 : f32
    %ne3A_11 = vector.broadcast %ne3A : f32 to vector<5000x64xf32>
    %ne3A_12 = arith.cmpf one, %rem3A_10, %ne3A_11 : vector<5000x64xf32>
    %lt3A = arith.constant 0.000000e+00 : f32
    %lt3A_13 = vector.broadcast %lt3A : f32 to vector<5000x64xf32>
    %lt3A_14 = arith.cmpf olt, %rem3A_10, %lt3A_13 : vector<5000x64xf32>
    %lt3A_15 = arith.constant 0.000000e+00 : f32
    %lt3A_16 = arith.cmpf olt, %jit3A, %lt3A_15 : f32
    %ne3A_17 = vector.broadcast %lt3A_16 : i1 to vector<5000x64xi1>
    %ne3A_18 = vector.broadcast %ne3A_17 : vector<5000x64xi1> to vector<5000x64xi1>
    %ne3A_19 = arith.xori %lt3A_14, %ne3A_18 : vector<5000x64xi1>
    %and3A = arith.andi %ne3A_19, %ne3A_12 : vector<5000x64xi1>
    %add3A_20 = vector.broadcast %jit3A : f32 to vector<5000x64xf32>
    %add3A_21 = arith.addf %rem3A_10, %add3A_20 : vector<5000x64xf32>
    %select_n3A = arith.select %and3A, %add3A_21, %rem3A_10 : vector<5000x64xi1>, vector<5000x64xf32>
    %mul3A = arith.constant 2.000000e+00 : f32
    %mul3A_22 = vector.broadcast %mul3A : f32 to vector<5000x64xf32>
    %mul3A_23 = arith.mulf %mul3A_22, %select_n3A : vector<5000x64xf32>
    %sub3A = arith.constant 1.000000e+00 : f32
    %sub3A_24 = vector.broadcast %sub3A : f32 to vector<5000x64xf32>
    %sub3A_25 = arith.subf %sub3A_24, %mul3A_23 : vector<5000x64xf32>
    %gt3A = arith.constant 0.000000e+00 : f32
    %gt3A_26 = vector.broadcast %gt3A : f32 to vector<5000x64xf32>
    %gt3A_27 = arith.cmpf ogt, %slice3A_9, %gt3A_26 : vector<5000x64xf32>
    %exp3A = math.exp %slice3A : vector<5000x64xf32>
    %mul3A_28 = arith.mulf %sub3A_25, %exp3A : vector<5000x64xf32>
    %jit3A_29 = arith.constant 0.000000e+00 : f32
    %broadcast_in_dim3A = vector.broadcast %jit3A_29 : f32 to vector<5000x64xf32>
    %select_n3A_30 = arith.select %gt3A_27, %mul3A_28, %broadcast_in_dim3A : vector<5000x64xi1>, vector<5000x64xf32>
    %get3A_31 = arith.constant 0 : index
    %get3A_32 = arith.constant 0 : index
    %get3A_33 = vector.load %arg2[%get3A_31, %get3A_32] : memref<128x64xf32, #tpu.memory_space<vmem>>, vector<128x64xf32>
    %dot_general3A = arith.constant dense<0.000000e+00> : vector<5000x128xf32>
    %dot_general3A_34 = tpu.matmul %select_n3A_30, %get3A_33, %dot_general3A {dimension_numbers = #tpu.dot_dimension_numbers<[1], [1], [0], [0], [0, 0, 1, 0], [], []>, transpose_lhs_hint = false} : vector<5000x64xf32>, vector<128x64xf32>, vector<5000x128xf32> -> vector<5000x128xf32>
    %swap3A = arith.constant 0 : index
    %swap3A_35 = arith.constant 0 : index
    %swap3A_36 = vector.load %arg3[%swap3A, %swap3A_35] : memref<5000x128xf32, #tpu.memory_space<vmem>>, vector<5000x128xf32>
    tpu.vector_store %arg3[%swap3A, %swap3A_35], %dot_general3A_34 {strides = array<i32>} : memref<5000x128xf32, #tpu.memory_space<vmem>>, vector<5000x128xf32>,
    return
  }
  func.func @transform_0(%arg0: i32) -> (i32, i32, i32) {
    %c0_i32 = arith.constant 0 : i32
    %c0_i32_0 = arith.constant 0 : i32
    %c0_i32_1 = arith.constant 0 : i32
    return %c0_i32, %arg0, %c0_i32_0 : i32, i32, i32
  }
  func.func @transform_1(%arg0: i32) -> (i32, i32) {
    %c0_i32 = arith.constant 0 : i32
    %c0_i32_0 = arith.constant 0 : i32
    %c0_i32_1 = arith.constant 0 : i32
    return %c0_i32, %c0_i32_0 : i32, i32
  }
  func.func @transform_2(%arg0: i32) -> (i32, i32) {
    %c0_i32 = arith.constant 0 : i32
    %c0_i32_0 = arith.constant 0 : i32
    return %arg0, %c0_i32 : i32, i32
  }
}

</mosaic_0001>

<sc_bundles>
// kernel: kernel.5.cloned.1.call-start
scs
__scs_entry_jumppad:
0x0: {  	(pc) =	sbr.rel $0x88, $3  }
0x1: {  	(tag) =	ssettag $0x0;
	lr =	simm.s32 $0x1  }
0x2: {  	[smem:$0x3F9D] =	sst lr;
	_ =	strace $0xD0000000  }
0x3: {  	_ = 	snop  }
0x4: {  	_ = 	snop  }
0x5: {  	_ = 	snop  }
0x6: {  	_ = 	snop  }
0x7: {  	_ = 	snop  }
__scs_overlays_trampoline_lowered:
0x8: {  	[smem:$0x3FAC] =	sst s0  }
0x9: {  	[smem:$0x3FAD] =	sst s1  }
0xa: {  	[smem:$0x3FAE] =	sst s2  }
0xb: {  	[smem:$0x3FAF] =	sst s3  }
0xc: {  	[smem:$0x3FB0] =	sst s4  }
0xd: {  	[smem:$0x3FB1] =	sst s5  }
0xe: {  	[smem:$0x3FB2] =	sst s6  }
0xf: {  	[smem:$0x3FB3] =	sst s7  }
0x10: {  	[smem:$0x3FB4] =	sst s8  }
0x11: {  	[smem:$0x3FB5] =	sst s9;
	s0 =	simm.s32 @!p0 $0x0  }
0x12: {  	s1 =	sld [smem:$0x3F9B];
	s0 =	simm.s32 @p0 $0x1  }
0x13: {  	[smem:$0x3FB6] =	sst s0;
	s0 =	simm.s32 @!p1 $0x0  }
0x14: {  	s2 =	sld [smem:$0x3F9A];
	s0 =	simm.s32 @p1 $0x1  }
0x15: {  	[smem:$0x3FB7] =	sst s0;
	s0 =	simm.s32 @!p2 $0x0  }
0x16: {  	s3 =	sld [smem:$0x3FDB];
	s0 =	simm.s32 @p2 $0x1  }
0x17: {  	s4 =	simm.s32 $0x1BF5;
	[smem:$0x3FB9] =	sst s0  }
0x18: {  	s0 =	sld [smem:$0x3F9C];
	_ =	swait.ge [sflag:s4], $0x0  }
0x19: {  	s7 =	sld [smem:$0x3F9D]  }
0x1a: {  	s8 =	sadd.s32 $0xFFFFE003, lr  }
0x1b: {  	s9 =	sadd.s32 $0xFFFFFEF7, lr;
	s5 =	simm.s32 $0xFFFFFFFF;
	p2 =	slt.u32 s8, $0xFFFFF086  }
0x1c: {  	p1 =	slt.u32 s9, $0xF7A;
	s5 =	simm.s32 @!p2 $0x0  }
0x1d: {  	s5 =	simm.s32 @p1 $0x1;
	p0 =	seq.s32 s7, s2  }
0x1e: {  	s7 =	smul.u32 @!p0 $0xF7A, s2;
	p2 =	seq.s32 @!p0 s5, $0x0  }
0x1f: {  	s9 =	smul.u32 $0xF7A, s1;
	s8 =	simm.s32 @!p0 $0x1BF5;
	p2 =	por !p2, p0  }
0x20: {  	[sflag:s8] =	ssyncset.s32 @!p0 $0xFFFFF086;
	s6 =	sadd.s32 @!p0 s3, s7;
	s7 =	simm.s32 @!p0 $0x108  }
0x21: {  	s3 =	sadd.s32 s3, s9;
	s6 =	sadd.s32 @!p0 $0x88, s6;
	s7 =	simm.s32 @p2 $0x1082  }
0x22: {  	[simem:s7], [sflag:s8] =	dma.local @!p0 [hbm:s6], $0xF7A  }
0x23: {  	s9 =	sor.u32 $0xD0000000, s2;
	s6 =	simm.s32 $0x108;
	_ =	swait.ge @!p0 [sflag:s8], $0x0  }
0x24: {  	s3 =	sadd.s32 $0x88, s3;
	s6 =	simm.s32 @!p1 $0x1082;
	[sflag:s4] =	ssyncset.s32 $0xFFFFF086  }
0x25: {  	[simem:s6], [sflag:s4] =	dma.local [hbm:s3], $0xF7A  }
0x26: {  	[smem:$0x3F9D] =	sst s1;
	(tag) =	ssettag s2;
	_ =	strace s9  }
0x27: {  	s1 =	sld [smem:$0x3FAD]  }
0x28: {  	s2 =	sld [smem:$0x3FAE]  }
0x29: {  	s4 =	sld [smem:$0x3FB0]  }
0x2a: {  	p0 =	seq.s32 s5, $0x0;
	s5 =	sld [smem:$0x3FB1]  }
0x2b: {  	s6 =	sld [smem:$0x3FB2]  }
0x2c: {  	s7 =	sld [smem:$0x3FB3]  }
0x2d: {  	s3 =	simm.s32 $0x108;
	s8 =	sld [smem:$0x3FB4]  }
0x2e: {  	s3 =	simm.s32 @!p0 $0x1082;
	s9 =	sld [smem:$0x3FB5]  }
0x2f: {  	lr =	sadd.s32 s0, s3;
	s0 =	sld [smem:$0x3FAC]  }
0x30: {  	s3 =	sld [smem:$0x3FAF]  }
0x31: {  	[smem:$0x3FB8] =	sst s10  }
0x32: {  	s10 =	sld [smem:$0x3FB6];
	_ =	sdelay $0x3  }
0x33: {  	p0 =	seq.s32 s10, $0x1;
	s10 =	sld [smem:$0x3FB8];
	_ =	sdelay $0x3  }
0x34: {  	[smem:$0x3FB8] =	sst s10  }
0x35: {  	s10 =	sld [smem:$0x3FB7];
	_ =	sdelay $0x3  }
0x36: {  	p1 =	seq.s32 s10, $0x1;
	s10 =	sld [smem:$0x3FB8];
	_ =	sdelay $0x3  }
0x37: {  	[smem:$0x3FB8] =	sst s10  }
0x38: {  	s10 =	sld [smem:$0x3FB9]  }
0x39: {  	_ = 	snop;
	(pc) =	sbr.ind lr, $3  }
0x3a: {  	_ = 	snop  }
0x3b: {  	_ = 	snop  }
0x3c: {  	p2 =	seq.s32 s10, $0x1;
	s10 =	sld [smem:$0x3FB8]  }
0x3d: {  	_ =	shalt  }
0x3e: {  	_ =	shalt  }
0x3f: {  	_ =	shalt  }
0x40: {  	_ =	shalt  }
0x41: {  	_ =	shalt  }
0x42: {  	_ =	shalt  }
0x43: {  	_ =	shalt  }
0x44: {  	_ =	shalt  }
0x45: {  	_ =	shalt  }
0x46: {  	_ =	shalt  }
0x47: {  	_ =	shalt  }
0x48: {  	_ =	shalt  }
0x49: {  	_ =	shalt  }
0x4a: {  	_ =	shalt  }
0x4b: {  	_ =	shalt  }
0x4c: {  	_ =	shalt  }
0x4d: {  	_ =	shalt  }
0x4e: {  	_ =	shalt  }
0x4f: {  	_ =	shalt  }
0x50: {  	_ =	shalt  }
0x51: {  	_ =	shalt  }
0x52: {  	_ =	shalt  }
0x53: {  	_ =	shalt  }
0x54: {  	_ =	shalt  }
0x55: {  	_ =	shalt  }
0x56: {  	_ =	shalt  }
0x57: {  	_ =	shalt  }
0x58: {  	_ =	shalt  }
0x59: {  	_ =	shalt  }
0x5a: {  	_ =	shalt  }
0x5b: {  	_ =	shalt  }
0x5c: {  	_ =	shalt  }
0x5d: {  	_ =	shalt  }
0x5e: {  	_ =	shalt  }
0x5f: {  	_ =	shalt  }
0x60: {  	_ =	shalt  }
0x61: {  	_ =	shalt  }
0x62: {  	_ =	shalt  }
0x63: {  	_ =	shalt  }
0x64: {  	_ =	shalt  }
0x65: {  	_ =	shalt  }
0x66: {  	_ =	shalt  }
0x67: {  	_ =	shalt  }
0x68: {  	_ =	shalt  }
0x69: {  	_ =	shalt  }
0x6a: {  	_ =	shalt  }
0x6b: {  	_ =	shalt  }
0x6c: {  	_ =	shalt  }
0x6d: {  	_ =	shalt  }
0x6e: {  	_ =	shalt  }
0x6f: {  	_ =	shalt  }
0x70: {  	_ =	shalt  }
0x71: {  	_ =	shalt  }
0x72: {  	_ =	shalt  }
0x73: {  	_ =	shalt  }
0x74: {  	_ =	shalt  }
0x75: {  	_ =	shalt  }
0x76: {  	_ =	shalt  }
0x77: {  	_ =	shalt  }
0x78: {  	_ =	shalt  }
0x79: {  	_ =	shalt  }
0x7a: {  	_ =	shalt  }
0x7b: {  	_ =	shalt  }
0x7c: {  	_ =	shalt  }
0x7d: {  	_ =	shalt  }
0x7e: {  	_ =	shalt  }
0x7f: {  	_ =	shalt  }
0x80: {  	_ =	shalt  }
0x81: {  	_ =	shalt  }
0x82: {  	_ =	shalt  }
0x83: {  	_ =	shalt  }
0x84: {  	_ =	shalt  }
0x85: {  	_ =	shalt  }
0x86: {  	_ =	shalt  }
0x87: {  	_ =	shalt  }
.Lfunc_end0:
.L_simem_size_0:
called_computation_lowered:
.L_overlay_start_0:
0x88: {  	s2 =	sld [smem:$0x3FD9]  }
0x89: {  	s3 =	sld [smem:$0x3FFE];
	_ =	sdelay $0x1  }
0x8a: {  	s1 =	srdreg.scid  }
0x8b: {  	s0 =	sand.u32 $0x1, s1  }
0x8c: {  	s17 =	sshll.u32 s0, $0xA;
	s2 =	sadd.s32 s3, s2  }
0x8d: {  	s2 =	sadd.s32 s2, s17  }
0x8e: {  	[smem:$0x3FC4] =	sst s2  }
0x8f: {  	_ = 	snop  }
0x90: {  	s2 =	sld [smem:$0x3FD0];
	(tm) =	ssettm $0x1  }
0x91: {  	s18 =	sld [smem:$0x3FFB];
	_ =	sdelay $0x3  }
0x92: {  	_ =	strace s18  }
0x93: {  	s3 =	sld [smem:$0x3FFC];
	_ =	sdelay $0x3  }
0x94: {  	_ =	strace s3  }
0x95: {  	s3 =	sld [smem:$0x3FFD];
	_ =	sdelay $0x3  }
0x96: {  	_ =	strace s3  }
0x97: {  	_ =	strace $0x8FFFFFFF  }
0x98: {  	s19 =	sld [smem:$0x3FDB];
	_ =	sdelay $0x1  }
0x99: {  	s4 =	simm.s32 $_scs_section_size  }
0x9a: {  	s5 =	simm.s32 $_size__tile_overlayer_lowered;
	s6 =	simm.s32 $_tile_overlayer_lowered  }
0x9b: {  	s22 =	simm.s32 $0x1BFF;
	s21 =	sshll.u32 s6, $0x1;
	s3 =	sadd.s32 s4, s19  }
0x9c: {  	s7 =	simm.s32 $0x0;
	s20 =	sshll.u32 s5, $0x1;
	s5 =	sadd.s32 s21, s3  }
0x9d: {  	[timem:s7], [sflag:s22] =	dma.local [hbm:s5], s20  }
0x9e: {  	_ =	swait.ge [sflag:s22], s20  }
0x9f: {  	s4 =	ssub.s32 $0x0, s20;
	[sflag:s22] =	ssyncset.done $0x0  }
0xa0: {  	[sflag:s22] =	ssyncadd.s32 s4;
	_ =	sdelay $0x1  }
0xa1: {  	s23 =	simm.s32 $0x1B8B  }
0xa2: {  	_ =	swait.ge [sflag:s23], $0x1  }
0xa3: {  	[sflag:s23] =	ssyncset.done $0x0  }
0xa4: {  	s25 =	simm.s32 $0x1B8E;
	s24 =	sld [smem:$0x3FFE];
	[sflag:s23] =	ssyncadd.s32 $0xFFFFFFFF  }
0xa5: {  	s26 =	simm.s32 $execute0_lowered;
	[smem:$0x3FD2] =	sst s25  }
0xa6: {  	s5 =	sshll.u32 s26, $0x1;
	_ =	strace $0x80000046;
	[dreg:$0x1] =	wrdreg $0xFFFFFFFF  }
0xa7: {  	s28 =	simm.s32 $_size_execute0_lowered;
	s3 =	sadd.s32 s3, s5;
	[dreg:$0x0] =	wrdreg $0x0  }
0xa8: {  	s5 =	sshll.u32 s28, $0x1;
	[dreg:$0x2] =	wrdreg s3  }
0xa9: {  	[dreg:$0x3] =	wrdreg s5  }
0xaa: {  	[dreg:$0x4] =	wrdreg $0xC0  }
0xab: {  	_ =	task [dreg:s7], $0x5FFFF  }
0xac: {  	[dreg:$0x1] =	wrdreg $0xFFFFFFFF  }
0xad: {  	[dreg:$0x0] =	wrdreg $0x60  }
0xae: {  	[dreg:$0x2] =	wrdreg s2  }
0xaf: {  	[dreg:$0x3] =	wrdreg s24  }
0xb0: {  	[dreg:$0x4] =	wrdreg $0xA8000  }
0xb1: {  	[dreg:$0x5] =	wrdreg $0x9  }
0xb2: {  	_ =	task.clear_ibuf [dreg:s7], $0x6FFFF;
	_ =	strace $0x90000046  }
0xb3: {  	s29 =	simm.s32 $0x9;
	_ =	strace $0x80000048  }
0xb4: {  	_ =	swait.ge [sflag:s29], $0x1  }
0xb5: {  	[sflag:s29] =	ssyncadd.s32 $0xFFFFFFFF  }
0xb6: {  	_ =	strace $0x90000048  }
0xb7: {  	_ =	sfence  }
0xb8: {  	s30 =	sld [smem:$0x0];
	_ =	sdelay $0x2  }
0xb9: {  	s31 =	sshll.u32 s1, $0xD;
	s1 =	sshrl.u32 s1, $0x2  }
0xba: {  	s3 =	sand.u32 $0x4000, s31;
	s1 =	sadd.s32 s1, s30  }
0xbb: {  	s0 =	sor.u32 s3, s0;
	s1 =	sshll.u32 s1, $0x11  }
0xbc: {  	s0 =	sor.u32 s1, s0  }
0xbd: {  	s0 =	sadd.s32 $0x8F2B, s0  }
0xbe: {  	[sflag:s0] =	ssyncadd.remote.s32 $0x1  }
0xbf: {  	_ =	sfence.sel $0xFFFF  }
0xc0: {  	[dreg:$0x0] =	wrdreg $0xFFFFFFFF;
	(pc) =	sbr.abs _section_cstart, $3  }
0xc1: {  	[dreg:$0x1] =	wrdreg $0xFFFFFFFF  }
0xc2: {  	_ =	task.clear_ibuf [dreg:s7], $0x2FFFF;
	_ =	strace $0x9FFFFFFF  }
0xc3: {  	(tm) =	ssettm $0x7FFFFFFF  }
tec
execute0_lowered:
.L_overlay_start_1:
0x0: {  	(tag) =	ssettag $0x1  }
0x1: {  	s0 =	rddreg [dreg:$0x0]  }
0x2: {  	s5 =	rddreg [dreg:$0x1];
	s1 =	srdreg.scid  }
0x3: {  	s3 =	rddreg [dreg:$0x2];
	s2 =	stileid.u32;
	s4 =	simm.s32 $0x0  }
0x4: {  	s17 =	simm.s32 $0x3;
	s18 =	simm.s32 $0x1400;
	s19 =	simm.s32 $0x80  }
0x5: {  	s20 =	simm.s32 $0x6800;
	s21 =	simm.s32 $0x1;
	s22 =	simm.s32 $0x2  }
0x6: {  	s23 =	simm.s32 $0x1380;
	s24 =	simm.s32 $0x2700;
	s25 =	simm.s32 $0x2780  }
0x7: {  	s6 =	sand.u32 $0x1, s1;
	s8 =	smul.u32 $0x14000, s2;
	[smem:$0x7FF] =	sst s4  }
0x8: {  	s12 =	sadd.s32 $0xB200, s5;
	s26 =	smul.u32 $0x50000, s2;
	s13 =	sadd.s32 $0x1200, s5  }
0x9: {  	s28 =	sshll.u32 s2, $0x1;
	s7 =	smul.u32 $0x140000, s6;
	_ =	strace $0x80000047  }
0xa: {  	s29 =	ssub.s32 $0x2, s6;
	s6 =	sor.u32 s6, s28;
	s30 =	sshrl.u32 s26, $0x2  }
0xb: {  	s31 =	sshrl.u32 s29, $0x1;
	s10 =	smul.u32 $0x2800, s6;
	s7 =	sadd.s32 s8, s7  }
0xc: {  	s26 =	simm.s32 $0x0;
	s15 =	ssub.s32 s29, s31;
	s7 =	sshrl.u32 s7, $0x3  }
0xd: {  	s16 =	sshrl.u32 s10, $0x3;
	s15 =	smax.u32 s15, $0x1;
	s14 =	sadd.s32 s7, s5  }
0xe: {  	s5 =	sadd.s32 s30, s3;
	s10 =	sadd.s32 s12, s16;
	s11 =	sadd.s32 s13, s16  }
0xf: {  	s16 =	sadd.s32 $0x280, s16;
	s6 =	sadd.s32 $0x4000, s5;
	s7 =	sadd.s32 $0x8000, s5  }
0x10: {  	s8 =	sadd.s32 $0xC000, s5;
	s9 =	sadd.s32 $0x10000, s5;
	s12 =	sadd.s32 s12, s16  }
0x11: {  	v0 =	vimm.f32 $0.0e+00;
	s13 =	sadd.s32 s13, s16;
	s14 =	sadd.s32 $0x15200, s14;
	s16 =	simm.s32 $0x2800  }
.LBB2_1:
0x12: {  	s28 =	simm.s32 $0x0;
	s29 =	simm.s32 $0x200  }
.LBB2_2:
0x13: {  	p0 =	sne.s32 s29, $0xFE00;
	[tilespmem:s28+$0x2870] =	vst v0  }
0x14: {  	[tilespmem:s28+$0x2800] =	vst v0  }
0x15: {  	[tilespmem:s28+$0x2810] =	vst v0  }
.Ltmp0:
0x16: {  	[tilespmem:s28+$0x2820] =	vst v0;
	(pc) =	sbr.rel @p0 .LBB2_2-.Ltmp0, $4  }
0x17: {  	[tilespmem:s28+$0x2830] =	vst v0  }
0x18: {  	[tilespmem:s28+$0x2840] =	vst v0  }
0x19: {  	[tilespmem:s28+$0x2850] =	vst v0  }
0x1a: {  	[tilespmem:s28+$0x2860] =	vst v0;
	s28 =	sshra.s32 s29, $0x2;
	s29 =	sadd.s32 $0x200, s29  }
0x1b: {  	[tilespmem:s28+$0x2870] =	vst v0  }
0x1c: {  	[tilespmem:s28+$0x2800] =	vst v0  }
0x1d: {  	[tilespmem:s28+$0x2810] =	vst v0  }
0x1e: {  	[tilespmem:s28+$0x2820] =	vst v0  }
0x1f: {  	[tilespmem:s28+$0x2830] =	vst v0  }
0x20: {  	[tilespmem:s28+$0x2840] =	vst v0  }
0x21: {  	[tilespmem:s28+$0x2850] =	vst v0  }
0x22: {  	[tilespmem:s28+$0x2860] =	vst v0  }
0x23: {  	[spmem:s5] =	stream.linear.scatter [tilespmem:s16], [sflag:$0x3], $0x4000, $0x38;
	[tilespmem:$0x1E800] =	vst v63  }
0x24: {  	_ =	swait.ge [sflag:s17], $0x4000  }
0x25: {  	[sflag:s17] =	ssyncset.done $0x0  }
0x26: {  	[sflag:s17] =	ssyncadd.s32 $0xFFFFC000  }
0x27: {  	[spmem:s6] =	stream.linear.scatter [tilespmem:s16], [sflag:$0x3], $0x4000, $0x38;
	[tilespmem:$0x1E800] =	vst v63  }
0x28: {  	_ =	swait.ge [sflag:s17], $0x4000  }
0x29: {  	[sflag:s17] =	ssyncset.done $0x0  }
0x2a: {  	[sflag:s17] =	ssyncadd.s32 $0xFFFFC000  }
0x2b: {  	[spmem:s7] =	stream.linear.scatter [tilespmem:s16], [sflag:$0x3], $0x4000, $0x38;
	[tilespmem:$0x1E800] =	vst v63  }
0x2c: {  	_ =	swait.ge [sflag:s17], $0x4000  }
0x2d: {  	[sflag:s17] =	ssyncset.done $0x0  }
0x2e: {  	[sflag:s17] =	ssyncadd.s32 $0xFFFFC000  }
0x2f: {  	[spmem:s8] =	stream.linear.scatter [tilespmem:s16], [sflag:$0x3], $0x4000, $0x38;
	[tilespmem:$0x1E800] =	vst v63  }
0x30: {  	_ =	swait.ge [sflag:s17], $0x4000  }
0x31: {  	[sflag:s17] =	ssyncset.done $0x0  }
0x32: {  	[sflag:s17] =	ssyncadd.s32 $0xFFFFC000  }
0x33: {  	[spmem:s9] =	stream.linear.scatter [tilespmem:s16], [sflag:$0x3], $0x4000, $0x38;
	[tilespmem:$0x1E800] =	vst v63  }
0x34: {  	_ =	swait.ge [sflag:s17], $0x4000  }
0x35: {  	[sflag:s17] =	ssyncset.done $0x0  }
0x36: {  	[sflag:s17] =	ssyncadd.s32 $0xFFFFC000  }
0x37: {  	s28 =	simm.s32 $0x0;
	[bflag:$0x0] =	sbarrier.arrive $0xFFFF  }
0x38: {  	[tilespmem:s28], [sflag:$0x3] =	stream.linear.gather [hbm4b:s10+s28], $0x1400, $0x38;
	[tilespmem:$0x1E800] =	vst v63  }
0x39: {  	_ =	swait.ge [sflag:s17], $0x1400  }
0x3a: {  	[sflag:s17] =	ssyncset.done $0x0  }
0x3b: {  	[sflag:s17] =	ssyncadd.s32 $0xFFFFEC00  }
0x3c: {  	[tilespmem:s18], [sflag:$0x3] =	stream.linear.gather [hbm4b:s11+s28], $0x1400, $0x38;
	[tilespmem:$0x1E800] =	vst v63  }
0x3d: {  	_ =	swait.ge [sflag:s17], $0x1400  }
0x3e: {  	[sflag:s17] =	ssyncset.done $0x0  }
0x3f: {  	[sflag:s17] =	ssyncadd.s32 $0xFFFFEC00  }
0x40: {  	[tilespmem:s16], [sflag:$0x1] =	stream.indirect.gather [hbm4b:s0+s19], $0x80, s28, s19, $0xb8;
	[tilespmem:$0x1E800] =	vst v63  }
0x41: {  	s28 =	simm.s32 $0x80  }
0x42: {  	[tilespmem:s20], [sflag:$0x2] =	stream.indirect.gather [hbm4b:s0+s19], $0x80, s28, s19, $0xb8;
	[tilespmem:$0x1E800] =	vst v63  }
0x43: {  	_ =	swait.ge [sflag:s21], $0x4000  }
0x44: {  	[sflag:s21] =	ssyncset.done $0x0  }
0x45: {  	s28 =	simm.s32 $0x1400;
	[sflag:s21] =	ssyncadd.s32 $0xFFFFC000  }
0x46: {  	[spmem:s3] =	stream.indirect.scatter.add.f32 [tilespmem:s16], [sflag:$0x3], $0x80, s28, s19, $0xb8;
	[tilespmem:$0x1E800] =	vst v63  }
0x47: {  	_ =	swait.ge [sflag:s17], $0x4000  }
0x48: {  	[sflag:s17] =	ssyncset.done $0x0  }
0x49: {  	s28 =	simm.s32 $0x100;
	[sflag:s17] =	ssyncadd.s32 $0xFFFFC000  }
0x4a: {  	[tilespmem:s16], [sflag:$0x1] =	stream.indirect.gather [hbm4b:s0+s19], $0x80, s28, s19, $0xb8;
	[tilespmem:$0x1E800] =	vst v63  }
0x4b: {  	_ =	swait.ge [sflag:s22], $0x4000  }
0x4c: {  	[sflag:s22] =	ssyncset.done $0x0  }
0x4d: {  	s28 =	simm.s32 $0x1480;
	[sflag:s22] =	ssyncadd.s32 $0xFFFFC000  }
0x4e: {  	[spmem:s3] =	stream.indirect.scatter.add.f32 [tilespmem:s20], [sflag:$0x3], $0x80, s28, s19, $0xb8;
	[tilespmem:$0x1E800] =	vst v63  }
0x4f: {  	_ =	swait.ge [sflag:s17], $0x4000  }
0x50: {  	s29 =	simm.s32 $0x800;
	s28 =	simm.s32 $0x100;
	[sflag:s17] =	ssyncset.done $0x0  }
.LBB2_4:
0x51: {  	s30 =	sadd.s32 $0x80, s28  }
0x52: {  	[sflag:s17] =	ssyncadd.s32 $0xFFFFC000;
	s31 =	smov.u32 s29;
	s1 =	sadd.s32 $0x400, s29  }
0x53: {  	[tilespmem:s20], [sflag:$0x2] =	stream.indirect.gather [hbm4b:s0+s19], $0x80, s30, s19, $0xb8;
	[tilespmem:$0x1E800] =	vst v63  }
0x54: {  	p0 =	sne.s32 s29, $0x4800;
	_ =	swait.ge [sflag:s21], $0x4000  }
0x55: {  	[sflag:s21] =	ssyncset.done $0x0  }
0x56: {  	s29 =	sadd.s32 $0x1400, s28;
	[sflag:s21] =	ssyncadd.s32 $0xFFFFC000  }
0x57: {  	[spmem:s3] =	stream.indirect.scatter.add.f32 [tilespmem:s16], [sflag:$0x3], $0x80, s29, s19, $0xb8;
	[tilespmem:$0x1E800] =	vst v63  }
0x58: {  	_ =	swait.ge [sflag:s17], $0x4000  }
0x59: {  	[sflag:s17] =	ssyncset.done $0x0  }
0x5a: {  	s29 =	sadd.s32 $0x100, s28;
	[sflag:s17] =	ssyncadd.s32 $0xFFFFC000  }
0x5b: {  	[tilespmem:s16], [sflag:$0x1] =	stream.indirect.gather [hbm4b:s0+s19], $0x80, s29, s19, $0xb8;
	[tilespmem:$0x1E800] =	vst v63  }
0x5c: {  	_ =	swait.ge [sflag:s22], $0x4000  }
.Ltmp1:
0x5d: {  	[sflag:s22] =	ssyncset.done $0x0;
	(pc) =	sbr.rel @p0 .LBB2_4-.Ltmp1, $4  }
0x5e: {  	s28 =	sadd.s32 $0x1480, s28;
	[sflag:s22] =	ssyncadd.s32 $0xFFFFC000  }
0x5f: {  	[spmem:s3] =	stream.indirect.scatter.add.f32 [tilespmem:s20], [sflag:$0x3], $0x80, s28, s19, $0xb8;
	[tilespmem:$0x1E800] =	vst v63  }
0x60: {  	_ =	swait.ge [sflag:s17], $0x4000  }
0x61: {  	s29 =	smov.u32 s1;
	s28 =	sshra.s32 s31, $0x2;
	[sflag:s17] =	ssyncset.done $0x0  }
0x62: {  	s1 =	sadd.s32 $0x80, s28;
	[sflag:s17] =	ssyncadd.s32 $0xFFFFC000  }
0x63: {  	[tilespmem:s20], [sflag:$0x2] =	stream.indirect.gather [hbm4b:s0+s19], $0x80, s1, s19, $0xb8;
	[tilespmem:$0x1E800] =	vst v63  }
0x64: {  	_ =	swait.ge [sflag:s21], $0x4000  }
0x65: {  	[sflag:s21] =	ssyncset.done $0x0  }
0x66: {  	s30 =	sadd.s32 $0x1400, s28;
	[sflag:s21] =	ssyncadd.s32 $0xFFFFC000  }
0x67: {  	[spmem:s3] =	stream.indirect.scatter.add.f32 [tilespmem:s16], [sflag:$0x3], $0x80, s30, s19, $0xb8;
	[tilespmem:$0x1E800] =	vst v63  }
0x68: {  	_ =	swait.ge [sflag:s17], $0x4000  }
0x69: {  	[sflag:s17] =	ssyncset.done $0x0  }
0x6a: {  	s31 =	sadd.s32 $0x100, s28;
	[sflag:s17] =	ssyncadd.s32 $0xFFFFC000  }
0x6b: {  	[tilespmem:s16], [sflag:$0x1] =	stream.indirect.gather [hbm4b:s0+s19], $0x80, s31, s19, $0xb8;
	[tilespmem:$0x1E800] =	vst v63  }
0x6c: {  	_ =	swait.ge [sflag:s22], $0x4000  }
0x6d: {  	[sflag:s22] =	ssyncset.done $0x0  }
0x6e: {  	s30 =	sadd.s32 $0x1480, s28;
	[sflag:s22] =	ssyncadd.s32 $0xFFFFC000  }
0x6f: {  	[spmem:s3] =	stream.indirect.scatter.add.f32 [tilespmem:s20], [sflag:$0x3], $0x80, s30, s19, $0xb8;
	[tilespmem:$0x1E800] =	vst v63  }
0x70: {  	_ =	swait.ge [sflag:s17], $0x4000  }
0x71: {  	[sflag:s17] =	ssyncset.done $0x0  }
0x72: {  	[sflag:s17] =	ssyncadd.s32 $0xFFFFC000  }
0x73: {  	[tilespmem:s20], [sflag:$0x2] =	stream.indirect.gather [hbm4b:s0+s19], $0x80, s23, s19, $0xb8;
	[tilespmem:$0x1E800] =	vst v63  }
0x74: {  	_ =	swait.ge [sflag:s21], $0x4000  }
0x75: {  	[sflag:s21] =	ssyncset.done $0x0  }
0x76: {  	[sflag:s21] =	ssyncadd.s32 $0xFFFFC000  }
0x77: {  	[spmem:s3] =	stream.indirect.scatter.add.f32 [tilespmem:s16], [sflag:$0x3], $0x80, s24, s19, $0xb8;
	[tilespmem:$0x1E800] =	vst v63  }
0x78: {  	_ =	swait.ge [sflag:s17], $0x4000  }
0x79: {  	[sflag:s17] =	ssyncset.done $0x0  }
0x7a: {  	s31 =	simm.s32 $0x0;
	[sflag:s17] =	ssyncadd.s32 $0xFFFFC000  }
0x7b: {  	[tilespmem:s16], [sflag:$0x1] =	stream.indirect.gather [hbm4b:s0+s19], $0x80, s31, s19, $0xb8;
	[tilespmem:$0x1E800] =	vst v63  }
0x7c: {  	_ =	swait.ge [sflag:s22], $0x4000  }
0x7d: {  	[sflag:s22] =	ssyncset.done $0x0  }
0x7e: {  	[sflag:s22] =	ssyncadd.s32 $0xFFFFC000  }
0x7f: {  	[spmem:s3] =	stream.indirect.scatter.add.f32 [tilespmem:s20], [sflag:$0x3], $0x80, s25, s19, $0xb8;
	[tilespmem:$0x1E800] =	vst v63  }
0x80: {  	_ =	swait.ge [sflag:s17], $0x4000  }
0x81: {  	[sflag:s17] =	ssyncset.done $0x0  }
0x82: {  	[sflag:s17] =	ssyncadd.s32 $0xFFFFC000  }
0x83: {  	_ =	swait.ge [sflag:s21], $0x4000  }
0x84: {  	[sflag:s21] =	ssyncset.done $0x0  }
0x85: {  	[sflag:s21] =	ssyncadd.s32 $0xFFFFC000  }
0x86: {  	[tilespmem:s31], [sflag:$0x3] =	stream.linear.gather [hbm4b:s12+s31], $0x1400, $0x38;
	[tilespmem:$0x1E800] =	vst v63  }
0x87: {  	_ =	swait.ge [sflag:s17], $0x1400  }
0x88: {  	[sflag:s17] =	ssyncset.done $0x0  }
0x89: {  	[sflag:s17] =	ssyncadd.s32 $0xFFFFEC00  }
0x8a: {  	[tilespmem:s18], [sflag:$0x3] =	stream.linear.gather [hbm4b:s13+s31], $0x1400, $0x38;
	[tilespmem:$0x1E800] =	vst v63  }
0x8b: {  	_ =	swait.ge [sflag:s17], $0x1400  }
0x8c: {  	[sflag:s17] =	ssyncset.done $0x0  }
0x8d: {  	[sflag:s17] =	ssyncadd.s32 $0xFFFFEC00  }
0x8e: {  	[tilespmem:s16], [sflag:$0x1] =	stream.indirect.gather [hbm4b:s0+s19], $0x80, s31, s19, $0xb8;
	[tilespmem:$0x1E800] =	vst v63  }
0x8f: {  	s30 =	simm.s32 $0x80  }
0x90: {  	[tilespmem:s20], [sflag:$0x2] =	stream.indirect.gather [hbm4b:s0+s19], $0x80, s30, s19, $0xb8;
	[tilespmem:$0x1E800] =	vst v63  }
0x91: {  	_ =	swait.ge [sflag:s21], $0x4000  }
0x92: {  	[sflag:s21] =	ssyncset.done $0x0  }
0x93: {  	s31 =	simm.s32 $0x1400;
	[sflag:s21] =	ssyncadd.s32 $0xFFFFC000  }
0x94: {  	[spmem:s3] =	stream.indirect.scatter.add.f32 [tilespmem:s16], [sflag:$0x3], $0x80, s31, s19, $0xb8;
	[tilespmem:$0x1E800] =	vst v63  }
0x95: {  	_ =	swait.ge [sflag:s17], $0x4000  }
0x96: {  	[sflag:s17] =	ssyncset.done $0x0  }
0x97: {  	s30 =	simm.s32 $0x100;
	[sflag:s17] =	ssyncadd.s32 $0xFFFFC000  }
0x98: {  	[tilespmem:s16], [sflag:$0x1] =	stream.indirect.gather [hbm4b:s0+s19], $0x80, s30, s19, $0xb8;
	[tilespmem:$0x1E800] =	vst v63  }
0x99: {  	_ =	swait.ge [sflag:s22], $0x4000  }
0x9a: {  	[sflag:s22] =	ssyncset.done $0x0  }
0x9b: {  	s31 =	simm.s32 $0x1480;
	[sflag:s22] =	ssyncadd.s32 $0xFFFFC000  }
0x9c: {  	[spmem:s3] =	stream.indirect.scatter.add.f32 [tilespmem:s20], [sflag:$0x3], $0x80, s31, s19, $0xb8;
	[tilespmem:$0x1E800] =	vst v63  }
0x9d: {  	_ =	swait.ge [sflag:s17], $0x4000  }
0x9e: {  	s29 =	simm.s32 $0x800;
	s28 =	simm.s32 $0x100;
	[sflag:s17] =	ssyncset.done $0x0  }
.LBB2_6:
0x9f: {  	s1 =	sadd.s32 $0x80, s28  }
0xa0: {  	[sflag:s17] =	ssyncadd.s32 $0xFFFFC000;
	s30 =	smov.u32 s29;
	s31 =	sadd.s32 $0x400, s29  }
0xa1: {  	[tilespmem:s20], [sflag:$0x2] =	stream.indirect.gather [hbm4b:s0+s19], $0x80, s1, s19, $0xb8;
	[tilespmem:$0x1E800] =	vst v63  }
0xa2: {  	p0 =	sne.s32 s29, $0x4800;
	_ =	swait.ge [sflag:s21], $0x4000  }
0xa3: {  	[sflag:s21] =	ssyncset.done $0x0  }
0xa4: {  	s1 =	sadd.s32 $0x1400, s28;
	[sflag:s21] =	ssyncadd.s32 $0xFFFFC000  }
0xa5: {  	[spmem:s3] =	stream.indirect.scatter.add.f32 [tilespmem:s16], [sflag:$0x3], $0x80, s1, s19, $0xb8;
	[tilespmem:$0x1E800] =	vst v63  }
0xa6: {  	_ =	swait.ge [sflag:s17], $0x4000  }
0xa7: {  	[sflag:s17] =	ssyncset.done $0x0  }
0xa8: {  	s1 =	sadd.s32 $0x100, s28;
	[sflag:s17] =	ssyncadd.s32 $0xFFFFC000  }
0xa9: {  	[tilespmem:s16], [sflag:$0x1] =	stream.indirect.gather [hbm4b:s0+s19], $0x80, s1, s19, $0xb8;
	[tilespmem:$0x1E800] =	vst v63  }
0xaa: {  	_ =	swait.ge [sflag:s22], $0x4000  }
.Ltmp2:
0xab: {  	[sflag:s22] =	ssyncset.done $0x0;
	(pc) =	sbr.rel @p0 .LBB2_6-.Ltmp2, $4  }
0xac: {  	s1 =	sadd.s32 $0x1480, s28;
	[sflag:s22] =	ssyncadd.s32 $0xFFFFC000  }
0xad: {  	[spmem:s3] =	stream.indirect.scatter.add.f32 [tilespmem:s20], [sflag:$0x3], $0x80, s1, s19, $0xb8;
	[tilespmem:$0x1E800] =	vst v63  }
0xae: {  	_ =	swait.ge [sflag:s17], $0x4000  }
0xaf: {  	s29 =	smov.u32 s31;
	s28 =	sshra.s32 s30, $0x2;
	[sflag:s17] =	ssyncset.done $0x0  }
0xb0: {  	s1 =	sadd.s32 $0x80, s28;
	[sflag:s17] =	ssyncadd.s32 $0xFFFFC000  }
0xb1: {  	[tilespmem:s20], [sflag:$0x2] =	stream.indirect.gather [hbm4b:s0+s19], $0x80, s1, s19, $0xb8;
	[tilespmem:$0x1E800] =	vst v63  }
0xb2: {  	_ =	swait.ge [sflag:s21], $0x4000  }
0xb3: {  	[sflag:s21] =	ssyncset.done $0x0  }
0xb4: {  	s30 =	sadd.s32 $0x1400, s28;
	[sflag:s21] =	ssyncadd.s32 $0xFFFFC000  }
0xb5: {  	[spmem:s3] =	stream.indirect.scatter.add.f32 [tilespmem:s16], [sflag:$0x3], $0x80, s30, s19, $0xb8;
	[tilespmem:$0x1E800] =	vst v63  }
0xb6: {  	_ =	swait.ge [sflag:s17], $0x4000  }
0xb7: {  	[sflag:s17] =	ssyncset.done $0x0  }
0xb8: {  	s31 =	sadd.s32 $0x100, s28;
	[sflag:s17] =	ssyncadd.s32 $0xFFFFC000  }
0xb9: {  	[tilespmem:s16], [sflag:$0x1] =	stream.indirect.gather [hbm4b:s0+s19], $0x80, s31, s19, $0xb8;
	[tilespmem:$0x1E800] =	vst v63  }
0xba: {  	_ =	swait.ge [sflag:s22], $0x4000  }
0xbb: {  	[sflag:s22] =	ssyncset.done $0x0  }
0xbc: {  	s29 =	sadd.s32 $0x1480, s28;
	[sflag:s22] =	ssyncadd.s32 $0xFFFFC000  }
0xbd: {  	[spmem:s3] =	stream.indirect.scatter.add.f32 [tilespmem:s20], [sflag:$0x3], $0x80, s29, s19, $0xb8;
	[tilespmem:$0x1E800] =	vst v63  }
0xbe: {  	_ =	swait.ge [sflag:s17], $0x4000  }
0xbf: {  	[sflag:s17] =	ssyncset.done $0x0  }
0xc0: {  	[sflag:s17] =	ssyncadd.s32 $0xFFFFC000  }
0xc1: {  	[tilespmem:s20], [sflag:$0x2] =	stream.indirect.gather [hbm4b:s0+s19], $0x80, s23, s19, $0xb8;
	[tilespmem:$0x1E800] =	vst v63  }
0xc2: {  	_ =	swait.ge [sflag:s21], $0x4000  }
0xc3: {  	[sflag:s21] =	ssyncset.done $0x0  }
0xc4: {  	[sflag:s21] =	ssyncadd.s32 $0xFFFFC000  }
0xc5: {  	[spmem:s3] =	stream.indirect.scatter.add.f32 [tilespmem:s16], [sflag:$0x3], $0x80, s24, s19, $0xb8;
	[tilespmem:$0x1E800] =	vst v63  }
0xc6: {  	_ =	swait.ge [sflag:s17], $0x4000  }
0xc7: {  	[sflag:s17] =	ssyncset.done $0x0  }
0xc8: {  	[sflag:s17] =	ssyncadd.s32 $0xFFFFC000  }
0xc9: {  	[tilespmem:s16], [sflag:$0x1] =	stream.indirect.gather [hbm4b:s0+s19], $0x80, s4, s19, $0xb8;
	[tilespmem:$0x1E800] =	vst v63  }
0xca: {  	_ =	swait.ge [sflag:s22], $0x4000  }
0xcb: {  	[sflag:s22] =	ssyncset.done $0x0  }
0xcc: {  	[sflag:s22] =	ssyncadd.s32 $0xFFFFC000  }
0xcd: {  	[spmem:s3] =	stream.indirect.scatter.add.f32 [tilespmem:s20], [sflag:$0x3], $0x80, s25, s19, $0xb8;
	[tilespmem:$0x1E800] =	vst v63  }
0xce: {  	_ =	swait.ge [sflag:s17], $0x4000  }
0xcf: {  	[sflag:s17] =	ssyncset.done $0x0  }
0xd0: {  	[sflag:s17] =	ssyncadd.s32 $0xFFFFC000  }
0xd1: {  	_ =	swait.ge [sflag:s21], $0x4000  }
0xd2: {  	s26 =	sadd.s32 $0x1, s26;
	s30 =	sshll.u32 s2, $0x6;
	[sflag:s21] =	ssyncset.done $0x0  }
0xd3: {  	p0 =	sne.s32 s26, s15;
	s1 =	sor.u32 $0x1C03, s30;
	[sflag:s21] =	ssyncadd.s32 $0xFFFFC000  }
.Ltmp3:
0xd4: {  	s31 =	sshrl.u32 s5, $0x3;
	[bflag:$0x0] =	sbarrier.arrive $0xFFFF;
	(pc) =	sbr.rel @p0 .LBB2_1-.Ltmp3, $4  }
0xd5: {  	[hbm:s14], [sflag:s1] =	dma.local [spmem:s31], $0x2800  }
0xd6: {  	_ =	swait.ge [sflag:s17], $0x2800  }
0xd7: {  	[sflag:s17] =	ssyncset.done $0x0  }
0xd8: {  	[sflag:s17] =	ssyncadd.s32 $0xFFFFD800  }
0xd9: {  	_ =	sfence.sel $0x180000  }
0xda: {  	[bflag:$0x0] =	sbarrier.arrive $0xFFFF  }
0xdb: {  	_ =	strace $0x90000047  }
0xdc: {  	[bflag:$0x2] =	sbarrier.arrive $0xFFFF  }
0xdd: {  	p0 =	sne.s32 s2, $0x0;
	s0 =	rddreg [dreg:$0x3]  }
0xde: {  	s0 =	sadd.s32 @!p0 $0x100000, s0  }
0xdf: {  	[sflag:s0] =	ssyncadd.tile.s32 @!p0 $0x1;
	_ =	shalt  }
.Lfunc_end2:
_tile_overlayer_lowered:
.L_overlay_start_2:
0xe0: {  	(tag) =	ssettag $0x2  }
0xe1: {  	s0 =	rddreg [dreg:$0x0];
	s2 =	stileid.u32  }
0xe2: {  	s1 =	rddreg [dreg:$0x1];
	p0 =	sne.s32 s2, $0x0  }
0xe3: {  	s3 =	rddreg [dreg:$0x2];
	[bflag:$0x3] =	sbarrier.arrive $0xFFFF;
	s2 =	simm.s32 @!p0 $0x1C03  }
0xe4: {  	[timem:s3], [sflag:s2] =	dma.local @!p0 [hbm:s0], s1  }
0xe5: {  	s0 =	simm.s32 @!p0 $0x3  }
0xe6: {  	_ =	swait.ge @!p0 [sflag:s0], s1  }
0xe7: {  	s1 =	ssub.s32 @!p0 $0x0, s1;
	[sflag:s0] =	ssyncset.done @!p0 $0x0  }
0xe8: {  	[sflag:s0] =	ssyncadd.s32 @!p0 s1  }
0xe9: {  	[bflag:$0x3] =	sbarrier.arrive $0xFFFF  }
0xea: {  	_ =	shalt  }

</sc_bundles>
